<compile_context>
chip_gen: v7x
topology: tpu7x:2x2x1
jax: 0.10.2.dev20260603
libtpu: 0.0.44.dev20260713+nightly
codegen_flags: <defaults>
</compile_context>

<pallas_src>
import functools

import jax
import jax.numpy as jnp
from jax import lax
from jax.experimental import pallas as pl
from jax.experimental.pallas import tpu as pltpu
from jax.experimental.pallas import tpu_sc as plsc

N = 10000
E = 320000
H = 128
R = 64
F = 128
CUTOFF = 5.0
LOG2 = 0.6931471805599453

NC = 2
NS = 16
NW = NC * NS
EPW = E // NW
C = 80
NCHUNK = EPW // C
NP = 10240
RPT = NP // NS
ZB = 128


LOG2E = 1.4426950408889634

def _ssp(v):
    y = jnp.exp2(jnp.abs(v) * (-LOG2E))
    return jnp.maximum(v, 0.0) + jnp.log2(0.5 + 0.5 * y) * LOG2



EB = 3200

def _edge_filter_body(ea_ref, ew_ref, w1_ref, b1_ref, w2_ref, b2_ref, out_ref):
    ew = ew_ref[...]
    ones3 = jnp.ones((3, 1), jnp.float32)
    s = jnp.dot(ew * ew, ones3,
                preferred_element_type=jnp.float32) * (1.0 / (CUTOFF * CUTOFF))
    s = jnp.maximum(s, 1e-30)
    u = s * lax.rsqrt(s)
    t = 1.0 - u
    env = jnp.where(u < 1.0, t * t * (1.0 + 2.0 * u), 0.0)
    ea = ea_ref[...].astype(jnp.bfloat16)
    w1 = w1_ref[...].astype(jnp.bfloat16)
    h1 = _ssp(jnp.dot(ea, w1, preferred_element_type=jnp.float32) + b1_ref[...])
    h1b = h1.astype(jnp.bfloat16)
    w2 = w2_ref[...].astype(jnp.bfloat16)
    out_ref[...] = (jnp.dot(h1b, w2, preferred_element_type=jnp.float32)
                    + b2_ref[...]) * env


def _edge_filter(edge_attr, edge_weight, w1, b1, w2, b2):
    grid = E // EB
    return pl.pallas_call(
        _edge_filter_body,
        grid=(grid,),
        in_specs=[
            pl.BlockSpec((EB, R), lambda g: (g, 0)),
            pl.BlockSpec((EB, 3), lambda g: (g, 0)),
            pl.BlockSpec((R, F), lambda g: (0, 0)),
            pl.BlockSpec((1, F), lambda g: (0, 0)),
            pl.BlockSpec((F, F), lambda g: (0, 0)),
            pl.BlockSpec((1, F), lambda g: (0, 0)),
        ],
        out_specs=pl.BlockSpec((EB, F), lambda g: (g, 0)),
        out_shape=jax.ShapeDtypeStruct((E, F), jnp.float32),
    )(edge_attr, edge_weight, w1, b1.reshape(1, F), w2, b2.reshape(1, F))



def _xw_body(x_ref, w_ref, o_ref):
    o_ref[...] = jnp.dot(x_ref[...], w_ref[...],
                         preferred_element_type=jnp.float32)


def _node_transform(x, lin1_w):
    return pl.pallas_call(
        _xw_body,
        out_shape=jax.ShapeDtypeStruct((N, F), jnp.float32),
    )(x, lin1_w)



def _sc_body(w_hbm, xw_hbm, jidx_hbm, iidx_hbm, zeros_hbm, out_hbm,
             jv0, jv1, iv0, iv1, wv0, wv1, rv0, rv1, agg_sh,
             sem_ij0, sem_ij1, sem_w0, sem_w1, sem_g0, sem_g1):
    cid = lax.axis_index("c")
    sid = lax.axis_index("s")
    wid = cid * NS + sid
    row0 = sid * RPT
    jv = (jv0, jv1)
    iv = (iv0, iv1)
    wv = (wv0, wv1)
    rv = (rv0, rv1)
    sem_ij = (sem_ij0, sem_ij1)
    sem_w = (sem_w0, sem_w1)
    sem_g = (sem_g0, sem_g1)
    ebase = wid * EPW

    for t in range(RPT // ZB):
        pltpu.sync_copy(zeros_hbm, agg_sh.at[pl.ds(row0 + t * ZB, ZB)])
    plsc.subcore_barrier()

    def _step(k, carry):
        base = ebase + k * C
        pltpu.sync_copy(jidx_hbm.at[pl.ds(base, C)], jv0)
        pltpu.sync_copy(iidx_hbm.at[pl.ds(base, C)], iv0)
        dw = pltpu.async_copy(w_hbm.at[pl.ds(base, C)], wv0, sem_w0)
        dg = pltpu.async_copy(xw_hbm.at[jv0], rv0, sem_g0)
        dw.wait()
        dg.wait()

        def _mul(r, t2):
            for q in range(F // 16):
                s = pl.ds(q * 16, 16)
                wv0[r, s] = wv0[r, s] * rv0[r, s]
            return t2
        lax.fori_loop(0, C, _mul, 0, unroll=2)
        pltpu.sync_copy(wv0, agg_sh.at[iv0], add=True)
        return carry

    lax.fori_loop(0, NCHUNK, _step, 0)
    plsc.subcore_barrier()

    pltpu.sync_copy(agg_sh.at[pl.ds(row0, RPT)],
                    out_hbm.at[cid, pl.ds(row0, RPT)])


def _sc_aggregate(w_edges, xw, jidx, iidx, zeros_blk):
    mesh = plsc.VectorSubcoreMesh(core_axis_name="c", subcore_axis_name="s",
                                  num_cores=NC, num_subcores=NS)
    kern = functools.partial(
        pl.kernel,
        out_type=jax.ShapeDtypeStruct((NC, NP, F), jnp.float32),
        mesh=mesh,
        scratch_types=[
            pltpu.VMEM((C,), jnp.int32),
            pltpu.VMEM((C,), jnp.int32),
            pltpu.VMEM((C,), jnp.int32),
            pltpu.VMEM((C,), jnp.int32),
            pltpu.VMEM((C, F), jnp.float32),
            pltpu.VMEM((C, F), jnp.float32),
            pltpu.VMEM((C, F), jnp.float32),
            pltpu.VMEM((C, F), jnp.float32),
            pltpu.VMEM_SHARED((NP, F), jnp.float32),
            pltpu.SemaphoreType.DMA,
            pltpu.SemaphoreType.DMA,
            pltpu.SemaphoreType.DMA,
            pltpu.SemaphoreType.DMA,
            pltpu.SemaphoreType.DMA,
            pltpu.SemaphoreType.DMA,
        ],
    )(_sc_body)
    return kern(w_edges, xw, jidx, iidx, zeros_blk)



NB = 2000

def _final_body(x_ref, p_ref, w_ref, b_ref, o_ref):
    agg = p_ref[0] + p_ref[1]
    h = jnp.dot(agg, w_ref[...], preferred_element_type=jnp.float32) + b_ref[...]
    o_ref[...] = x_ref[...] + _ssp(h)


def _final(x, partials, lin2_w, lin2_b):
    grid = N // NB
    return pl.pallas_call(
        _final_body,
        grid=(grid,),
        in_specs=[
            pl.BlockSpec((NB, H), lambda g: (g, 0)),
            pl.BlockSpec((NC, NB, F), lambda g: (0, g, 0)),
            pl.BlockSpec((F, H), lambda g: (0, 0)),
            pl.BlockSpec((1, H), lambda g: (0, 0)),
        ],
        out_specs=pl.BlockSpec((NB, H), lambda g: (g, 0)),
        out_shape=jax.ShapeDtypeStruct((N, H), jnp.float32),
    )(x, partials, lin2_w, lin2_b.reshape(1, H))


def kernel(x, edge_index, edge_weight, edge_attr,
           mlp_w1, mlp_b1, mlp_w2, mlp_b2, lin1_w, lin2_w, lin2_b):
    w_edges = _edge_filter(edge_attr, edge_weight, mlp_w1, mlp_b1, mlp_w2, mlp_b2)
    xw = _node_transform(x, lin1_w)
    iidx = edge_index[0]
    jidx = edge_index[1]
    zeros_blk = jnp.zeros((ZB, F), jnp.float32)
    partials = _sc_aggregate(w_edges, xw, jidx, iidx, zeros_blk)
    return _final(x, partials, lin2_w, lin2_b)

# --- scband reference (transcript-rebuilt; emitter-appended) ---
"""Pipeline reference for scband-interaction-block-90151363543797 (READ-ONLY COPY).

The authoritative reference and input builder live on the scoring server;
editing this copy changes nothing except your own understanding.
"""

import jax, jax.numpy as jnp
import numpy as np

N = 10000
E = 320000
H = 128   # hidden_dim
R = 64    # n_radial
F = 128   # num_filters
CUTOFF = 5.0


def shifted_softplus(x):
    return jax.nn.softplus(x) - jnp.log(2.0)


def envelope(d):
    # smoothstep envelope: 1 - S(u) with S(u) = 3u^2 - 2u^3, clipped to 0 beyond cutoff
    u = d / CUTOFF
    env = 1.0 - 3.0 * u ** 2 + 2.0 * u ** 3
    return jnp.where(u < 1.0, env, 0.0)


def setup_inputs(seed: int = 0) -> dict:
    key = jax.random.key(seed)
    ks = jax.random.split(key, 12)
    x = jax.random.normal(ks[0], (N, H), dtype=jnp.float32)
    edge_index = jax.random.randint(ks[1], (2, E), 0, N, dtype=jnp.int32)
    edge_weight = jax.random.normal(ks[2], (E, 3), dtype=jnp.float32)
    edge_attr = jax.random.uniform(ks[3], (E, R), dtype=jnp.float32)
    # learned parameters
    mlp_w1 = jax.random.normal(ks[4], (R, F), dtype=jnp.float32) * (1.0 / np.sqrt(R))
    mlp_b1 = jnp.zeros((F,), dtype=jnp.float32)
    mlp_w2 = jax.random.normal(ks[5], (F, F), dtype=jnp.float32) * (1.0 / np.sqrt(F))
    mlp_b2 = jnp.zeros((F,), dtype=jnp.float32)
    lin1_w = jax.random.normal(ks[6], (H, F), dtype=jnp.float32) * (1.0 / np.sqrt(H))
    lin2_w = jax.random.normal(ks[7], (F, H), dtype=jnp.float32) * (1.0 / np.sqrt(F))
    lin2_b = jnp.zeros((H,), dtype=jnp.float32)
    return {
        "x": x,
        "edge_index": edge_index,
        "edge_weight": edge_weight,
        "edge_attr": edge_attr,
        "mlp_w1": mlp_w1,
        "mlp_b1": mlp_b1,
        "mlp_w2": mlp_w2,
        "mlp_b2": mlp_b2,
        "lin1_w": lin1_w,
        "lin2_w": lin2_w,
        "lin2_b": lin2_b,
    }


def reference(x, edge_index, edge_weight, edge_attr,
              mlp_w1, mlp_b1, mlp_w2, mlp_b2, lin1_w, lin2_w, lin2_b):
    distances = jnp.linalg.norm(edge_weight, axis=-1)
    env = envelope(distances)[:, None]
    h1 = shifted_softplus(edge_attr @ mlp_w1 + mlp_b1)
    W = (h1 @ mlp_w2 + mlp_b2) * env
    i = edge_index[0]
    j = edge_index[1]
    messages = W * (x[j] @ lin1_w)
    agg = jnp.zeros((x.shape[0], lin1_w.shape[1]), dtype=x.dtype).at[i].add(messages)
    h = shifted_softplus(agg @ lin2_w + lin2_b)
    return x + h

if __name__ == "__main__":
    import jax
    _d = setup_inputs()
    print(jax.jit(kernel)(*tuple(_d.values())))

</pallas_src>

<mosaic_0001>
#map = affine_map<(d0, d1) -> (0, 0)>
#map1 = affine_map<(d0, d1) -> (0)>
#map2 = affine_map<(d0, d1) -> (0, 0, 0)>
module attributes {stable_mosaic.version = 14 : i64} {
  func.func @_sc_body(%arg0: i32, %arg1: i32, %arg2: memref<320000x128xf32, #tpu.memory_space<hbm>>, %arg3: memref<10000x128xf32, #tpu.memory_space<hbm>>, %arg4: memref<320000xi32, #tpu.memory_space<hbm>>, %arg5: memref<320000xi32, #tpu.memory_space<hbm>>, %arg6: memref<128x128xf32, #tpu.memory_space<hbm>>, %arg7: memref<2x10240x128xf32, #tpu.memory_space<hbm>>, %arg8: memref<80xi32, #tpu.memory_space<vmem>>, %arg9: memref<80xi32, #tpu.memory_space<vmem>>, %arg10: memref<80xi32, #tpu.memory_space<vmem>>, %arg11: memref<80xi32, #tpu.memory_space<vmem>>, %arg12: memref<80x128xf32, #tpu.memory_space<vmem>>, %arg13: memref<80x128xf32, #tpu.memory_space<vmem>>, %arg14: memref<80x128xf32, #tpu.memory_space<vmem>>, %arg15: memref<80x128xf32, #tpu.memory_space<vmem>>, %arg16: memref<10240x128xf32, #tpu.memory_space<vmem_shared>>, %arg17: memref<!tpu.dma_semaphore, #tpu.memory_space<semaphore_mem>>, %arg18: memref<!tpu.dma_semaphore, #tpu.memory_space<semaphore_mem>>, %arg19: memref<!tpu.dma_semaphore, #tpu.memory_space<semaphore_mem>>, %arg20: memref<!tpu.dma_semaphore, #tpu.memory_space<semaphore_mem>>, %arg21: memref<!tpu.dma_semaphore, #tpu.memory_space<semaphore_mem>>, %arg22: memref<!tpu.dma_semaphore, #tpu.memory_space<semaphore_mem>>) attributes {dimension_semantics = [#tpu.dimension_semantics<core_parallel>, #tpu.dimension_semantics<subcore_parallel>], iteration_bounds = array<i64: 2, 16>, scalar_prefetch = 0 : i64, scratch_operands = 15 : i64, tpu.core_type = #tpu.core_type<sc_vector_subcore>, window_params = [{transform_indices = #map}, {transform_indices = #map}, {transform_indices = #map1}, {transform_indices = #map1}, {transform_indices = #map}, {transform_indices = #map2}]} {
    %mul3A = arith.constant 16 : i32
    %mul3A_0 = arith.muli %arg0, %mul3A : i32
    %add3A = arith.addi %mul3A_0, %arg1 : i32
    %mul3A_1 = arith.constant 640 : i32
    %mul3A_2 = arith.muli %arg1, %mul3A_1 : i32
    %mul3A_3 = arith.constant 10000 : i32
    %mul3A_4 = arith.muli %add3A, %mul3A_3 : i32
    %add3A_5 = arith.constant 0 : i32
    %add3A_6 = arith.addi %mul3A_2, %add3A_5 : i32
    "tpu.region"() ({
      %run_scoped3A = tpu.sem_alloc : memref<!tpu.dma_semaphore, #tpu.memory_space<semaphore_mem>>
      %dma_start3A = arith.constant 0 : i32
      %dma_start3A_21 = tpu.memref_slice %arg16[%add3A_6, %dma_start3A] : memref<10240x128xf32, #tpu.memory_space<vmem_shared>> -> memref<128x128xf32, #tpu.memory_space<vmem_shared>>
      tpu.enqueue_dma source(%arg6 : memref<128x128xf32, #tpu.memory_space<hbm>>) target(%dma_start3A_21 : memref<128x128xf32, #tpu.memory_space<vmem_shared>>) target_semaphore(%run_scoped3A : memref<!tpu.dma_semaphore, #tpu.memory_space<semaphore_mem>>)
      %dma_wait3A = arith.constant 0 : i32
      %dma_wait3A_22 = tpu.memref_slice %arg16[%add3A_6, %dma_wait3A] : memref<10240x128xf32, #tpu.memory_space<vmem_shared>> -> memref<128x128xf32, #tpu.memory_space<vmem_shared>>
      tpu.wait_dma2 semaphore(%run_scoped3A : memref<!tpu.dma_semaphore, #tpu.memory_space<semaphore_mem>>) src(%arg6 : memref<128x128xf32, #tpu.memory_space<hbm>>) dst(%dma_wait3A_22 : memref<128x128xf32, #tpu.memory_space<vmem_shared>>)
      tpu.yield
    }) : () -> ()
    %add3A_7 = arith.constant 128 : i32
    %add3A_8 = arith.addi %mul3A_2, %add3A_7 : i32
    "tpu.region"() ({
      %run_scoped3A = tpu.sem_alloc : memref<!tpu.dma_semaphore, #tpu.memory_space<semaphore_mem>>
      %dma_start3A = arith.constant 0 : i32
      %dma_start3A_21 = tpu.memref_slice %arg16[%add3A_8, %dma_start3A] : memref<10240x128xf32, #tpu.memory_space<vmem_shared>> -> memref<128x128xf32, #tpu.memory_space<vmem_shared>>
      tpu.enqueue_dma source(%arg6 : memref<128x128xf32, #tpu.memory_space<hbm>>) target(%dma_start3A_21 : memref<128x128xf32, #tpu.memory_space<vmem_shared>>) target_semaphore(%run_scoped3A : memref<!tpu.dma_semaphore, #tpu.memory_space<semaphore_mem>>)
      %dma_wait3A = arith.constant 0 : i32
      %dma_wait3A_22 = tpu.memref_slice %arg16[%add3A_8, %dma_wait3A] : memref<10240x128xf32, #tpu.memory_space<vmem_shared>> -> memref<128x128xf32, #tpu.memory_space<vmem_shared>>
      tpu.wait_dma2 semaphore(%run_scoped3A : memref<!tpu.dma_semaphore, #tpu.memory_space<semaphore_mem>>) src(%arg6 : memref<128x128xf32, #tpu.memory_space<hbm>>) dst(%dma_wait3A_22 : memref<128x128xf32, #tpu.memory_space<vmem_shared>>)
      tpu.yield
    }) : () -> ()
    %add3A_9 = arith.constant 256 : i32
    %add3A_10 = arith.addi %mul3A_2, %add3A_9 : i32
    "tpu.region"() ({
      %run_scoped3A = tpu.sem_alloc : memref<!tpu.dma_semaphore, #tpu.memory_space<semaphore_mem>>
      %dma_start3A = arith.constant 0 : i32
      %dma_start3A_21 = tpu.memref_slice %arg16[%add3A_10, %dma_start3A] : memref<10240x128xf32, #tpu.memory_space<vmem_shared>> -> memref<128x128xf32, #tpu.memory_space<vmem_shared>>
      tpu.enqueue_dma source(%arg6 : memref<128x128xf32, #tpu.memory_space<hbm>>) target(%dma_start3A_21 : memref<128x128xf32, #tpu.memory_space<vmem_shared>>) target_semaphore(%run_scoped3A : memref<!tpu.dma_semaphore, #tpu.memory_space<semaphore_mem>>)
      %dma_wait3A = arith.constant 0 : i32
      %dma_wait3A_22 = tpu.memref_slice %arg16[%add3A_10, %dma_wait3A] : memref<10240x128xf32, #tpu.memory_space<vmem_shared>> -> memref<128x128xf32, #tpu.memory_space<vmem_shared>>
      tpu.wait_dma2 semaphore(%run_scoped3A : memref<!tpu.dma_semaphore, #tpu.memory_space<semaphore_mem>>) src(%arg6 : memref<128x128xf32, #tpu.memory_space<hbm>>) dst(%dma_wait3A_22 : memref<128x128xf32, #tpu.memory_space<vmem_shared>>)
      tpu.yield
    }) : () -> ()
    %add3A_11 = arith.constant 384 : i32
    %add3A_12 = arith.addi %mul3A_2, %add3A_11 : i32
    "tpu.region"() ({
      %run_scoped3A = tpu.sem_alloc : memref<!tpu.dma_semaphore, #tpu.memory_space<semaphore_mem>>
      %dma_start3A = arith.constant 0 : i32
      %dma_start3A_21 = tpu.memref_slice %arg16[%add3A_12, %dma_start3A] : memref<10240x128xf32, #tpu.memory_space<vmem_shared>> -> memref<128x128xf32, #tpu.memory_space<vmem_shared>>
      tpu.enqueue_dma source(%arg6 : memref<128x128xf32, #tpu.memory_space<hbm>>) target(%dma_start3A_21 : memref<128x128xf32, #tpu.memory_space<vmem_shared>>) target_semaphore(%run_scoped3A : memref<!tpu.dma_semaphore, #tpu.memory_space<semaphore_mem>>)
      %dma_wait3A = arith.constant 0 : i32
      %dma_wait3A_22 = tpu.memref_slice %arg16[%add3A_12, %dma_wait3A] : memref<10240x128xf32, #tpu.memory_space<vmem_shared>> -> memref<128x128xf32, #tpu.memory_space<vmem_shared>>
      tpu.wait_dma2 semaphore(%run_scoped3A : memref<!tpu.dma_semaphore, #tpu.memory_space<semaphore_mem>>) src(%arg6 : memref<128x128xf32, #tpu.memory_space<hbm>>) dst(%dma_wait3A_22 : memref<128x128xf32, #tpu.memory_space<vmem_shared>>)
      tpu.yield
    }) : () -> ()
    %add3A_13 = arith.constant 512 : i32
    %add3A_14 = arith.addi %mul3A_2, %add3A_13 : i32
    "tpu.region"() ({
      %run_scoped3A = tpu.sem_alloc : memref<!tpu.dma_semaphore, #tpu.memory_space<semaphore_mem>>
      %dma_start3A = arith.constant 0 : i32
      %dma_start3A_21 = tpu.memref_slice %arg16[%add3A_14, %dma_start3A] : memref<10240x128xf32, #tpu.memory_space<vmem_shared>> -> memref<128x128xf32, #tpu.memory_space<vmem_shared>>
      tpu.enqueue_dma source(%arg6 : memref<128x128xf32, #tpu.memory_space<hbm>>) target(%dma_start3A_21 : memref<128x128xf32, #tpu.memory_space<vmem_shared>>) target_semaphore(%run_scoped3A : memref<!tpu.dma_semaphore, #tpu.memory_space<semaphore_mem>>)
      %dma_wait3A = arith.constant 0 : i32
      %dma_wait3A_22 = tpu.memref_slice %arg16[%add3A_14, %dma_wait3A] : memref<10240x128xf32, #tpu.memory_space<vmem_shared>> -> memref<128x128xf32, #tpu.memory_space<vmem_shared>>
      tpu.wait_dma2 semaphore(%run_scoped3A : memref<!tpu.dma_semaphore, #tpu.memory_space<semaphore_mem>>) src(%arg6 : memref<128x128xf32, #tpu.memory_space<hbm>>) dst(%dma_wait3A_22 : memref<128x128xf32, #tpu.memory_space<vmem_shared>>)
      tpu.yield
    }) : () -> ()
    %barrier3A = arith.constant 0 : index
    tpu.barrier barrier_id(%barrier3A)
    %scan3A = arith.constant 0 : i32
    %scan3A_15 = arith.constant 0 : i32
    %scan3A_16 = arith.constant 125 : i32
    %scan3A_17 = arith.addi %scan3A_15, %scan3A_16 : i32
    %scan3A_18 = arith.constant 1 : i32
    scf.for %scan3A_21 = %scan3A_15 to %scan3A_17 step %scan3A_18  : i32 {
      %mul3A_22 = arith.constant 80 : i32
      %mul3A_23 = arith.muli %scan3A_21, %mul3A_22 : i32
      %add3A_24 = arith.addi %mul3A_4, %mul3A_23 : i32
      "tpu.region"() ({
        %run_scoped3A = tpu.sem_alloc : memref<!tpu.dma_semaphore, #tpu.memory_space<semaphore_mem>>
        %dma_start3A_43 = tpu.memref_slice %arg4[%add3A_24] : memref<320000xi32, #tpu.memory_space<hbm>> -> memref<80xi32, #tpu.memory_space<hbm>>
        %dma_start3A_44 = tpu.memref_slice %arg4[%add3A_24] : memref<320000xi32, #tpu.memory_space<hbm>> -> memref<80xi32, #tpu.memory_space<hbm>>
        tpu.enqueue_dma source(%dma_start3A_44 : memref<80xi32, #tpu.memory_space<hbm>>) target(%arg8 : memref<80xi32, #tpu.memory_space<vmem>>) target_semaphore(%run_scoped3A : memref<!tpu.dma_semaphore, #tpu.memory_space<semaphore_mem>>)
        %dma_wait3A_45 = tpu.memref_slice %arg4[%add3A_24] : memref<320000xi32, #tpu.memory_space<hbm>> -> memref<80xi32, #tpu.memory_space<hbm>>
        %dma_wait3A_46 = tpu.memref_slice %arg4[%add3A_24] : memref<320000xi32, #tpu.memory_space<hbm>> -> memref<80xi32, #tpu.memory_space<hbm>>
        tpu.wait_dma2 semaphore(%run_scoped3A : memref<!tpu.dma_semaphore, #tpu.memory_space<semaphore_mem>>) src(%dma_wait3A_46 : memref<80xi32, #tpu.memory_space<hbm>>) dst(%arg8 : memref<80xi32, #tpu.memory_space<vmem>>)
        tpu.yield
      }) : () -> ()
      "tpu.region"() ({
        %run_scoped3A = tpu.sem_alloc : memref<!tpu.dma_semaphore, #tpu.memory_space<semaphore_mem>>
        %dma_start3A_43 = tpu.memref_slice %arg5[%add3A_24] : memref<320000xi32, #tpu.memory_space<hbm>> -> memref<80xi32, #tpu.memory_space<hbm>>
        %dma_start3A_44 = tpu.memref_slice %arg5[%add3A_24] : memref<320000xi32, #tpu.memory_space<hbm>> -> memref<80xi32, #tpu.memory_space<hbm>>
        tpu.enqueue_dma source(%dma_start3A_44 : memref<80xi32, #tpu.memory_space<hbm>>) target(%arg10 : memref<80xi32, #tpu.memory_space<vmem>>) target_semaphore(%run_scoped3A : memref<!tpu.dma_semaphore, #tpu.memory_space<semaphore_mem>>)
        %dma_wait3A_45 = tpu.memref_slice %arg5[%add3A_24] : memref<320000xi32, #tpu.memory_space<hbm>> -> memref<80xi32, #tpu.memory_space<hbm>>
        %dma_wait3A_46 = tpu.memref_slice %arg5[%add3A_24] : memref<320000xi32, #tpu.memory_space<hbm>> -> memref<80xi32, #tpu.memory_space<hbm>>
        tpu.wait_dma2 semaphore(%run_scoped3A : memref<!tpu.dma_semaphore, #tpu.memory_space<semaphore_mem>>) src(%dma_wait3A_46 : memref<80xi32, #tpu.memory_space<hbm>>) dst(%arg10 : memref<80xi32, #tpu.memory_space<vmem>>)
        tpu.yield
      }) : () -> ()
      %dma_start3A = arith.constant 0 : i32
      %dma_start3A_25 = tpu.memref_slice %arg2[%add3A_24, %dma_start3A] : memref<320000x128xf32, #tpu.memory_space<hbm>> -> memref<80x128xf32, #tpu.memory_space<hbm>>
      %dma_start3A_26 = arith.constant 0 : i32
      %dma_start3A_27 = tpu.memref_slice %arg2[%add3A_24, %dma_start3A_26] : memref<320000x128xf32, #tpu.memory_space<hbm>> -> memref<80x128xf32, #tpu.memory_space<hbm>>
      tpu.enqueue_dma source(%dma_start3A_27 : memref<80x128xf32, #tpu.memory_space<hbm>>) target(%arg12 : memref<80x128xf32, #tpu.memory_space<vmem>>) target_semaphore(%arg19 : memref<!tpu.dma_semaphore, #tpu.memory_space<semaphore_mem>>)
      %dma_start3A_28 = arith.constant 0 : i32
      %dma_start3A_29 = arith.constant 0 : i32
      %dma_start3A_30 = tpu.memref_slice %arg3[%dma_start3A_28, %dma_start3A_29] : memref<10000x128xf32, #tpu.memory_space<hbm>> -> memref<10000x128xf32, #tpu.memory_space<hbm>>
      tpu.enqueue_indirect_dma source(%dma_start3A_30 : memref<10000x128xf32, #tpu.memory_space<hbm>>) target(%arg14 : memref<80x128xf32, #tpu.memory_space<vmem>>) offsets(%arg8 : memref<80xi32, #tpu.memory_space<vmem>>) semaphore(%arg21 : memref<!tpu.dma_semaphore, #tpu.memory_space<semaphore_mem>>)
      %dma_wait3A = arith.constant 0 : i32
      %dma_wait3A_31 = tpu.memref_slice %arg2[%add3A_24, %dma_wait3A] : memref<320000x128xf32, #tpu.memory_space<hbm>> -> memref<80x128xf32, #tpu.memory_space<hbm>>
      %dma_wait3A_32 = arith.constant 0 : i32
      %dma_wait3A_33 = tpu.memref_slice %arg2[%add3A_24, %dma_wait3A_32] : memref<320000x128xf32, #tpu.memory_space<hbm>> -> memref<80x128xf32, #tpu.memory_space<hbm>>
      tpu.wait_dma2 semaphore(%arg19 : memref<!tpu.dma_semaphore, #tpu.memory_space<semaphore_mem>>) src(%dma_wait3A_33 : memref<80x128xf32, #tpu.memory_space<hbm>>) dst(%arg12 : memref<80x128xf32, #tpu.memory_space<vmem>>)
      %dma_wait3A_34 = arith.constant 0 : i32
      %dma_wait3A_35 = arith.constant 0 : i32
      %dma_wait3A_36 = tpu.memref_slice %arg3[%dma_wait3A_34, %dma_wait3A_35] : memref<10000x128xf32, #tpu.memory_space<hbm>> -> memref<10000x128xf32, #tpu.memory_space<hbm>>
      tpu.wait_indirect_dma semaphore(%arg21 : memref<!tpu.dma_semaphore, #tpu.memory_space<semaphore_mem>>) src(%dma_wait3A_36 : memref<10000x128xf32, #tpu.memory_space<hbm>>) dst(%arg14 : memref<80x128xf32, #tpu.memory_space<vmem>>)
      %scan3A_37 = arith.constant 0 : i32
      %scan3A_38 = arith.constant 0 : i32
      %scan3A_39 = arith.constant 80 : i32
      %scan3A_40 = arith.addi %scan3A_38, %scan3A_39 : i32
      %scan3A_41 = arith.constant 2 : i32
      scf.for %scan3A_43 = %scan3A_38 to %scan3A_40 step %scan3A_41  : i32 {
        %get3A = arith.index_cast %scan3A_43 : i32 to index
        %get3A_44 = arith.constant 0 : index
        %get3A_45 = tpu.vector_load %arg12[%get3A, %get3A_44] {strides = array<i32>} : memref<80x128xf32, #tpu.memory_space<vmem>>, vector<1x16xf32>,
        %get3A_46 = vector.shape_cast %get3A_45 : vector<1x16xf32> to vector<16xf32>
        %get3A_47 = arith.index_cast %scan3A_43 : i32 to index
        %get3A_48 = arith.constant 0 : index
        %get3A_49 = tpu.vector_load %arg14[%get3A_47, %get3A_48] {strides = array<i32>} : memref<80x128xf32, #tpu.memory_space<vmem>>, vector<1x16xf32>,
        %get3A_50 = vector.shape_cast %get3A_49 : vector<1x16xf32> to vector<16xf32>
        %mul3A_51 = arith.mulf %get3A_46, %get3A_50 : vector<16xf32>
        %swap3A = arith.index_cast %scan3A_43 : i32 to index
        %swap3A_52 = arith.constant 0 : index
        %swap3A_53 = tpu.vector_load %arg12[%swap3A, %swap3A_52] {strides = array<i32>} : memref<80x128xf32, #tpu.memory_space<vmem>>, vector<1x16xf32>,
        %swap3A_54 = vector.shape_cast %swap3A_53 : vector<1x16xf32> to vector<16xf32>
        %swap3A_55 = vector.shape_cast %mul3A_51 : vector<16xf32> to vector<1x16xf32>
        tpu.vector_store %arg12[%swap3A, %swap3A_52], %swap3A_55 {strides = array<i32>} : memref<80x128xf32, #tpu.memory_space<vmem>>, vector<1x16xf32>,
        %get3A_56 = arith.index_cast %scan3A_43 : i32 to index
        %get3A_57 = arith.constant 16 : index
        %get3A_58 = tpu.vector_load %arg12[%get3A_56, %get3A_57] {strides = array<i32>} : memref<80x128xf32, #tpu.memory_space<vmem>>, vector<1x16xf32>,
        %get3A_59 = vector.shape_cast %get3A_58 : vector<1x16xf32> to vector<16xf32>
        %get3A_60 = arith.index_cast %scan3A_43 : i32 to index
        %get3A_61 = arith.constant 16 : index
        %get3A_62 = tpu.vector_load %arg14[%get3A_60, %get3A_61] {strides = array<i32>} : memref<80x128xf32, #tpu.memory_space<vmem>>, vector<1x16xf32>,
        %get3A_63 = vector.shape_cast %get3A_62 : vector<1x16xf32> to vector<16xf32>
        %mul3A_64 = arith.mulf %get3A_59, %get3A_63 : vector<16xf32>
        %swap3A_65 = arith.index_cast %scan3A_43 : i32 to index
        %swap3A_66 = arith.constant 16 : index
        %swap3A_67 = tpu.vector_load %arg12[%swap3A_65, %swap3A_66] {strides = array<i32>} : memref<80x128xf32, #tpu.memory_space<vmem>>, vector<1x16xf32>,
        %swap3A_68 = vector.shape_cast %swap3A_67 : vector<1x16xf32> to vector<16xf32>
        %swap3A_69 = vector.shape_cast %mul3A_64 : vector<16xf32> to vector<1x16xf32>
        tpu.vector_store %arg12[%swap3A_65, %swap3A_66], %swap3A_69 {strides = array<i32>} : memref<80x128xf32, #tpu.memory_space<vmem>>, vector<1x16xf32>,
        %get3A_70 = arith.index_cast %scan3A_43 : i32 to index
        %get3A_71 = arith.constant 32 : index
        %get3A_72 = tpu.vector_load %arg12[%get3A_70, %get3A_71] {strides = array<i32>} : memref<80x128xf32, #tpu.memory_space<vmem>>, vector<1x16xf32>,
        %get3A_73 = vector.shape_cast %get3A_72 : vector<1x16xf32> to vector<16xf32>
        %get3A_74 = arith.index_cast %scan3A_43 : i32 to index
        %get3A_75 = arith.constant 32 : index
        %get3A_76 = tpu.vector_load %arg14[%get3A_74, %get3A_75] {strides = array<i32>} : memref<80x128xf32, #tpu.memory_space<vmem>>, vector<1x16xf32>,
        %get3A_77 = vector.shape_cast %get3A_76 : vector<1x16xf32> to vector<16xf32>
        %mul3A_78 = arith.mulf %get3A_73, %get3A_77 : vector<16xf32>
        %swap3A_79 = arith.index_cast %scan3A_43 : i32 to index
        %swap3A_80 = arith.constant 32 : index
        %swap3A_81 = tpu.vector_load %arg12[%swap3A_79, %swap3A_80] {strides = array<i32>} : memref<80x128xf32, #tpu.memory_space<vmem>>, vector<1x16xf32>,
        %swap3A_82 = vector.shape_cast %swap3A_81 : vector<1x16xf32> to vector<16xf32>
        %swap3A_83 = vector.shape_cast %mul3A_78 : vector<16xf32> to vector<1x16xf32>
        tpu.vector_store %arg12[%swap3A_79, %swap3A_80], %swap3A_83 {strides = array<i32>} : memref<80x128xf32, #tpu.memory_space<vmem>>, vector<1x16xf32>,
        %get3A_84 = arith.index_cast %scan3A_43 : i32 to index
        %get3A_85 = arith.constant 48 : index
        %get3A_86 = tpu.vector_load %arg12[%get3A_84, %get3A_85] {strides = array<i32>} : memref<80x128xf32, #tpu.memory_space<vmem>>, vector<1x16xf32>,
        %get3A_87 = vector.shape_cast %get3A_86 : vector<1x16xf32> to vector<16xf32>
        %get3A_88 = arith.index_cast %scan3A_43 : i32 to index
        %get3A_89 = arith.constant 48 : index
        %get3A_90 = tpu.vector_load %arg14[%get3A_88, %get3A_89] {strides = array<i32>} : memref<80x128xf32, #tpu.memory_space<vmem>>, vector<1x16xf32>,
        %get3A_91 = vector.shape_cast %get3A_90 : vector<1x16xf32> to vector<16xf32>
        %mul3A_92 = arith.mulf %get3A_87, %get3A_91 : vector<16xf32>
        %swap3A_93 = arith.index_cast %scan3A_43 : i32 to index
        %swap3A_94 = arith.constant 48 : index
        %swap3A_95 = tpu.vector_load %arg12[%swap3A_93, %swap3A_94] {strides = array<i32>} : memref<80x128xf32, #tpu.memory_space<vmem>>, vector<1x16xf32>,
        %swap3A_96 = vector.shape_cast %swap3A_95 : vector<1x16xf32> to vector<16xf32>
        %swap3A_97 = vector.shape_cast %mul3A_92 : vector<16xf32> to vector<1x16xf32>
        tpu.vector_store %arg12[%swap3A_93, %swap3A_94], %swap3A_97 {strides = array<i32>} : memref<80x128xf32, #tpu.memory_space<vmem>>, vector<1x16xf32>,
        %get3A_98 = arith.index_cast %scan3A_43 : i32 to index
        %get3A_99 = arith.constant 64 : index
        %get3A_100 = tpu.vector_load %arg12[%get3A_98, %get3A_99] {strides = array<i32>} : memref<80x128xf32, #tpu.memory_space<vmem>>, vector<1x16xf32>,
        %get3A_101 = vector.shape_cast %get3A_100 : vector<1x16xf32> to vector<16xf32>
        %get3A_102 = arith.index_cast %scan3A_43 : i32 to index
        %get3A_103 = arith.constant 64 : index
        %get3A_104 = tpu.vector_load %arg14[%get3A_102, %get3A_103] {strides = array<i32>} : memref<80x128xf32, #tpu.memory_space<vmem>>, vector<1x16xf32>,
        %get3A_105 = vector.shape_cast %get3A_104 : vector<1x16xf32> to vector<16xf32>
        %mul3A_106 = arith.mulf %get3A_101, %get3A_105 : vector<16xf32>
        %swap3A_107 = arith.index_cast %scan3A_43 : i32 to index
        %swap3A_108 = arith.constant 64 : index
        %swap3A_109 = tpu.vector_load %arg12[%swap3A_107, %swap3A_108] {strides = array<i32>} : memref<80x128xf32, #tpu.memory_space<vmem>>, vector<1x16xf32>,
        %swap3A_110 = vector.shape_cast %swap3A_109 : vector<1x16xf32> to vector<16xf32>
        %swap3A_111 = vector.shape_cast %mul3A_106 : vector<16xf32> to vector<1x16xf32>
        tpu.vector_store %arg12[%swap3A_107, %swap3A_108], %swap3A_111 {strides = array<i32>} : memref<80x128xf32, #tpu.memory_space<vmem>>, vector<1x16xf32>,
        %get3A_112 = arith.index_cast %scan3A_43 : i32 to index
        %get3A_113 = arith.constant 80 : index
        %get3A_114 = tpu.vector_load %arg12[%get3A_112, %get3A_113] {strides = array<i32>} : memref<80x128xf32, #tpu.memory_space<vmem>>, vector<1x16xf32>,
        %get3A_115 = vector.shape_cast %get3A_114 : vector<1x16xf32> to vector<16xf32>
        %get3A_116 = arith.index_cast %scan3A_43 : i32 to index
        %get3A_117 = arith.constant 80 : index
        %get3A_118 = tpu.vector_load %arg14[%get3A_116, %get3A_117] {strides = array<i32>} : memref<80x128xf32, #tpu.memory_space<vmem>>, vector<1x16xf32>,
        %get3A_119 = vector.shape_cast %get3A_118 : vector<1x16xf32> to vector<16xf32>
        %mul3A_120 = arith.mulf %get3A_115, %get3A_119 : vector<16xf32>
        %swap3A_121 = arith.index_cast %scan3A_43 : i32 to index
        %swap3A_122 = arith.constant 80 : index
        %swap3A_123 = tpu.vector_load %arg12[%swap3A_121, %swap3A_122] {strides = array<i32>} : memref<80x128xf32, #tpu.memory_space<vmem>>, vector<1x16xf32>,
        %swap3A_124 = vector.shape_cast %swap3A_123 : vector<1x16xf32> to vector<16xf32>
        %swap3A_125 = vector.shape_cast %mul3A_120 : vector<16xf32> to vector<1x16xf32>
        tpu.vector_store %arg12[%swap3A_121, %swap3A_122], %swap3A_125 {strides = array<i32>} : memref<80x128xf32, #tpu.memory_space<vmem>>, vector<1x16xf32>,
        %get3A_126 = arith.index_cast %scan3A_43 : i32 to index
        %get3A_127 = arith.constant 96 : index
        %get3A_128 = tpu.vector_load %arg12[%get3A_126, %get3A_127] {strides = array<i32>} : memref<80x128xf32, #tpu.memory_space<vmem>>, vector<1x16xf32>,
        %get3A_129 = vector.shape_cast %get3A_128 : vector<1x16xf32> to vector<16xf32>
        %get3A_130 = arith.index_cast %scan3A_43 : i32 to index
        %get3A_131 = arith.constant 96 : index
        %get3A_132 = tpu.vector_load %arg14[%get3A_130, %get3A_131] {strides = array<i32>} : memref<80x128xf32, #tpu.memory_space<vmem>>, vector<1x16xf32>,
        %get3A_133 = vector.shape_cast %get3A_132 : vector<1x16xf32> to vector<16xf32>
        %mul3A_134 = arith.mulf %get3A_129, %get3A_133 : vector<16xf32>
        %swap3A_135 = arith.index_cast %scan3A_43 : i32 to index
        %swap3A_136 = arith.constant 96 : index
        %swap3A_137 = tpu.vector_load %arg12[%swap3A_135, %swap3A_136] {strides = array<i32>} : memref<80x128xf32, #tpu.memory_space<vmem>>, vector<1x16xf32>,
        %swap3A_138 = vector.shape_cast %swap3A_137 : vector<1x16xf32> to vector<16xf32>
        %swap3A_139 = vector.shape_cast %mul3A_134 : vector<16xf32> to vector<1x16xf32>
        tpu.vector_store %arg12[%swap3A_135, %swap3A_136], %swap3A_139 {strides = array<i32>} : memref<80x128xf32, #tpu.memory_space<vmem>>, vector<1x16xf32>,
        %get3A_140 = arith.index_cast %scan3A_43 : i32 to index
        %get3A_141 = arith.constant 112 : index
        %get3A_142 = tpu.vector_load %arg12[%get3A_140, %get3A_141] {strides = array<i32>} : memref<80x128xf32, #tpu.memory_space<vmem>>, vector<1x16xf32>,
        %get3A_143 = vector.shape_cast %get3A_142 : vector<1x16xf32> to vector<16xf32>
        %get3A_144 = arith.index_cast %scan3A_43 : i32 to index
        %get3A_145 = arith.constant 112 : index
        %get3A_146 = tpu.vector_load %arg14[%get3A_144, %get3A_145] {strides = array<i32>} : memref<80x128xf32, #tpu.memory_space<vmem>>, vector<1x16xf32>,
        %get3A_147 = vector.shape_cast %get3A_146 : vector<1x16xf32> to vector<16xf32>
        %mul3A_148 = arith.mulf %get3A_143, %get3A_147 : vector<16xf32>
        %swap3A_149 = arith.index_cast %scan3A_43 : i32 to index
        %swap3A_150 = arith.constant 112 : index
        %swap3A_151 = tpu.vector_load %arg12[%swap3A_149, %swap3A_150] {strides = array<i32>} : memref<80x128xf32, #tpu.memory_space<vmem>>, vector<1x16xf32>,
        %swap3A_152 = vector.shape_cast %swap3A_151 : vector<1x16xf32> to vector<16xf32>
        %swap3A_153 = vector.shape_cast %mul3A_148 : vector<16xf32> to vector<1x16xf32>
        tpu.vector_store %arg12[%swap3A_149, %swap3A_150], %swap3A_153 {strides = array<i32>} : memref<80x128xf32, #tpu.memory_space<vmem>>, vector<1x16xf32>,
        %scan3A_154 = arith.constant 1 : i32
        %scan3A_155 = arith.addi %scan3A_43, %scan3A_154 : i32
        %get3A_156 = arith.index_cast %scan3A_155 : i32 to index
        %get3A_157 = arith.constant 0 : index
        %get3A_158 = tpu.vector_load %arg12[%get3A_156, %get3A_157] {strides = array<i32>} : memref<80x128xf32, #tpu.memory_space<vmem>>, vector<1x16xf32>,
        %get3A_159 = vector.shape_cast %get3A_158 : vector<1x16xf32> to vector<16xf32>
        %get3A_160 = arith.index_cast %scan3A_155 : i32 to index
        %get3A_161 = arith.constant 0 : index
        %get3A_162 = tpu.vector_load %arg14[%get3A_160, %get3A_161] {strides = array<i32>} : memref<80x128xf32, #tpu.memory_space<vmem>>, vector<1x16xf32>,
        %get3A_163 = vector.shape_cast %get3A_162 : vector<1x16xf32> to vector<16xf32>
        %mul3A_164 = arith.mulf %get3A_159, %get3A_163 : vector<16xf32>
        %swap3A_165 = arith.index_cast %scan3A_155 : i32 to index
        %swap3A_166 = arith.constant 0 : index
        %swap3A_167 = tpu.vector_load %arg12[%swap3A_165, %swap3A_166] {strides = array<i32>} : memref<80x128xf32, #tpu.memory_space<vmem>>, vector<1x16xf32>,
        %swap3A_168 = vector.shape_cast %swap3A_167 : vector<1x16xf32> to vector<16xf32>
        %swap3A_169 = vector.shape_cast %mul3A_164 : vector<16xf32> to vector<1x16xf32>
        tpu.vector_store %arg12[%swap3A_165, %swap3A_166], %swap3A_169 {strides = array<i32>} : memref<80x128xf32, #tpu.memory_space<vmem>>, vector<1x16xf32>,
        %get3A_170 = arith.index_cast %scan3A_155 : i32 to index
        %get3A_171 = arith.constant 16 : index
        %get3A_172 = tpu.vector_load %arg12[%get3A_170, %get3A_171] {strides = array<i32>} : memref<80x128xf32, #tpu.memory_space<vmem>>, vector<1x16xf32>,
        %get3A_173 = vector.shape_cast %get3A_172 : vector<1x16xf32> to vector<16xf32>
        %get3A_174 = arith.index_cast %scan3A_155 : i32 to index
        %get3A_175 = arith.constant 16 : index
        %get3A_176 = tpu.vector_load %arg14[%get3A_174, %get3A_175] {strides = array<i32>} : memref<80x128xf32, #tpu.memory_space<vmem>>, vector<1x16xf32>,
        %get3A_177 = vector.shape_cast %get3A_176 : vector<1x16xf32> to vector<16xf32>
        %mul3A_178 = arith.mulf %get3A_173, %get3A_177 : vector<16xf32>
        %swap3A_179 = arith.index_cast %scan3A_155 : i32 to index
        %swap3A_180 = arith.constant 16 : index
        %swap3A_181 = tpu.vector_load %arg12[%swap3A_179, %swap3A_180] {strides = array<i32>} : memref<80x128xf32, #tpu.memory_space<vmem>>, vector<1x16xf32>,
        %swap3A_182 = vector.shape_cast %swap3A_181 : vector<1x16xf32> to vector<16xf32>
        %swap3A_183 = vector.shape_cast %mul3A_178 : vector<16xf32> to vector<1x16xf32>
        tpu.vector_store %arg12[%swap3A_179, %swap3A_180], %swap3A_183 {strides = array<i32>} : memref<80x128xf32, #tpu.memory_space<vmem>>, vector<1x16xf32>,
        %get3A_184 = arith.index_cast %scan3A_155 : i32 to index
        %get3A_185 = arith.constant 32 : index
        %get3A_186 = tpu.vector_load %arg12[%get3A_184, %get3A_185] {strides = array<i32>} : memref<80x128xf32, #tpu.memory_space<vmem>>, vector<1x16xf32>,
        %get3A_187 = vector.shape_cast %get3A_186 : vector<1x16xf32> to vector<16xf32>
        %get3A_188 = arith.index_cast %scan3A_155 : i32 to index
        %get3A_189 = arith.constant 32 : index
        %get3A_190 = tpu.vector_load %arg14[%get3A_188, %get3A_189] {strides = array<i32>} : memref<80x128xf32, #tpu.memory_space<vmem>>, vector<1x16xf32>,
        %get3A_191 = vector.shape_cast %get3A_190 : vector<1x16xf32> to vector<16xf32>
        %mul3A_192 = arith.mulf %get3A_187, %get3A_191 : vector<16xf32>
        %swap3A_193 = arith.index_cast %scan3A_155 : i32 to index
        %swap3A_194 = arith.constant 32 : index
        %swap3A_195 = tpu.vector_load %arg12[%swap3A_193, %swap3A_194] {strides = array<i32>} : memref<80x128xf32, #tpu.memory_space<vmem>>, vector<1x16xf32>,
        %swap3A_196 = vector.shape_cast %swap3A_195 : vector<1x16xf32> to vector<16xf32>
        %swap3A_197 = vector.shape_cast %mul3A_192 : vector<16xf32> to vector<1x16xf32>
        tpu.vector_store %arg12[%swap3A_193, %swap3A_194], %swap3A_197 {strides = array<i32>} : memref<80x128xf32, #tpu.memory_space<vmem>>, vector<1x16xf32>,
        %get3A_198 = arith.index_cast %scan3A_155 : i32 to index
        %get3A_199 = arith.constant 48 : index
        %get3A_200 = tpu.vector_load %arg12[%get3A_198, %get3A_199] {strides = array<i32>} : memref<80x128xf32, #tpu.memory_space<vmem>>, vector<1x16xf32>,
        %get3A_201 = vector.shape_cast %get3A_200 : vector<1x16xf32> to vector<16xf32>
        %get3A_202 = arith.index_cast %scan3A_155 : i32 to index
        %get3A_203 = arith.constant 48 : index
        %get3A_204 = tpu.vector_load %arg14[%get3A_202, %get3A_203] {strides = array<i32>} : memref<80x128xf32, #tpu.memory_space<vmem>>, vector<1x16xf32>,
        %get3A_205 = vector.shape_cast %get3A_204 : vector<1x16xf32> to vector<16xf32>
        %mul3A_206 = arith.mulf %get3A_201, %get3A_205 : vector<16xf32>
        %swap3A_207 = arith.index_cast %scan3A_155 : i32 to index
        %swap3A_208 = arith.constant 48 : index
        %swap3A_209 = tpu.vector_load %arg12[%swap3A_207, %swap3A_208] {strides = array<i32>} : memref<80x128xf32, #tpu.memory_space<vmem>>, vector<1x16xf32>,
        %swap3A_210 = vector.shape_cast %swap3A_209 : vector<1x16xf32> to vector<16xf32>
        %swap3A_211 = vector.shape_cast %mul3A_206 : vector<16xf32> to vector<1x16xf32>
        tpu.vector_store %arg12[%swap3A_207, %swap3A_208], %swap3A_211 {strides = array<i32>} : memref<80x128xf32, #tpu.memory_space<vmem>>, vector<1x16xf32>,
        %get3A_212 = arith.index_cast %scan3A_155 : i32 to index
        %get3A_213 = arith.constant 64 : index
        %get3A_214 = tpu.vector_load %arg12[%get3A_212, %get3A_213] {strides = array<i32>} : memref<80x128xf32, #tpu.memory_space<vmem>>, vector<1x16xf32>,
        %get3A_215 = vector.shape_cast %get3A_214 : vector<1x16xf32> to vector<16xf32>
        %get3A_216 = arith.index_cast %scan3A_155 : i32 to index
        %get3A_217 = arith.constant 64 : index
        %get3A_218 = tpu.vector_load %arg14[%get3A_216, %get3A_217] {strides = array<i32>} : memref<80x128xf32, #tpu.memory_space<vmem>>, vector<1x16xf32>,
        %get3A_219 = vector.shape_cast %get3A_218 : vector<1x16xf32> to vector<16xf32>
        %mul3A_220 = arith.mulf %get3A_215, %get3A_219 : vector<16xf32>
        %swap3A_221 = arith.index_cast %scan3A_155 : i32 to index
        %swap3A_222 = arith.constant 64 : index
        %swap3A_223 = tpu.vector_load %arg12[%swap3A_221, %swap3A_222] {strides = array<i32>} : memref<80x128xf32, #tpu.memory_space<vmem>>, vector<1x16xf32>,
        %swap3A_224 = vector.shape_cast %swap3A_223 : vector<1x16xf32> to vector<16xf32>
        %swap3A_225 = vector.shape_cast %mul3A_220 : vector<16xf32> to vector<1x16xf32>
        tpu.vector_store %arg12[%swap3A_221, %swap3A_222], %swap3A_225 {strides = array<i32>} : memref<80x128xf32, #tpu.memory_space<vmem>>, vector<1x16xf32>,
        %get3A_226 = arith.index_cast %scan3A_155 : i32 to index
        %get3A_227 = arith.constant 80 : index
        %get3A_228 = tpu.vector_load %arg12[%get3A_226, %get3A_227] {strides = array<i32>} : memref<80x128xf32, #tpu.memory_space<vmem>>, vector<1x16xf32>,
        %get3A_229 = vector.shape_cast %get3A_228 : vector<1x16xf32> to vector<16xf32>
        %get3A_230 = arith.index_cast %scan3A_155 : i32 to index
        %get3A_231 = arith.constant 80 : index
        %get3A_232 = tpu.vector_load %arg14[%get3A_230, %get3A_231] {strides = array<i32>} : memref<80x128xf32, #tpu.memory_space<vmem>>, vector<1x16xf32>,
        %get3A_233 = vector.shape_cast %get3A_232 : vector<1x16xf32> to vector<16xf32>
        %mul3A_234 = arith.mulf %get3A_229, %get3A_233 : vector<16xf32>
        %swap3A_235 = arith.index_cast %scan3A_155 : i32 to index
        %swap3A_236 = arith.constant 80 : index
        %swap3A_237 = tpu.vector_load %arg12[%swap3A_235, %swap3A_236] {strides = array<i32>} : memref<80x128xf32, #tpu.memory_space<vmem>>, vector<1x16xf32>,
        %swap3A_238 = vector.shape_cast %swap3A_237 : vector<1x16xf32> to vector<16xf32>
        %swap3A_239 = vector.shape_cast %mul3A_234 : vector<16xf32> to vector<1x16xf32>
        tpu.vector_store %arg12[%swap3A_235, %swap3A_236], %swap3A_239 {strides = array<i32>} : memref<80x128xf32, #tpu.memory_space<vmem>>, vector<1x16xf32>,
        %get3A_240 = arith.index_cast %scan3A_155 : i32 to index
        %get3A_241 = arith.constant 96 : index
        %get3A_242 = tpu.vector_load %arg12[%get3A_240, %get3A_241] {strides = array<i32>} : memref<80x128xf32, #tpu.memory_space<vmem>>, vector<1x16xf32>,
        %get3A_243 = vector.shape_cast %get3A_242 : vector<1x16xf32> to vector<16xf32>
        %get3A_244 = arith.index_cast %scan3A_155 : i32 to index
        %get3A_245 = arith.constant 96 : index
        %get3A_246 = tpu.vector_load %arg14[%get3A_244, %get3A_245] {strides = array<i32>} : memref<80x128xf32, #tpu.memory_space<vmem>>, vector<1x16xf32>,
        %get3A_247 = vector.shape_cast %get3A_246 : vector<1x16xf32> to vector<16xf32>
        %mul3A_248 = arith.mulf %get3A_243, %get3A_247 : vector<16xf32>
        %swap3A_249 = arith.index_cast %scan3A_155 : i32 to index
        %swap3A_250 = arith.constant 96 : index
        %swap3A_251 = tpu.vector_load %arg12[%swap3A_249, %swap3A_250] {strides = array<i32>} : memref<80x128xf32, #tpu.memory_space<vmem>>, vector<1x16xf32>,
        %swap3A_252 = vector.shape_cast %swap3A_251 : vector<1x16xf32> to vector<16xf32>
        %swap3A_253 = vector.shape_cast %mul3A_248 : vector<16xf32> to vector<1x16xf32>
        tpu.vector_store %arg12[%swap3A_249, %swap3A_250], %swap3A_253 {strides = array<i32>} : memref<80x128xf32, #tpu.memory_space<vmem>>, vector<1x16xf32>,
        %get3A_254 = arith.index_cast %scan3A_155 : i32 to index
        %get3A_255 = arith.constant 112 : index
        %get3A_256 = tpu.vector_load %arg12[%get3A_254, %get3A_255] {strides = array<i32>} : memref<80x128xf32, #tpu.memory_space<vmem>>, vector<1x16xf32>,
        %get3A_257 = vector.shape_cast %get3A_256 : vector<1x16xf32> to vector<16xf32>
        %get3A_258 = arith.index_cast %scan3A_155 : i32 to index
        %get3A_259 = arith.constant 112 : index
        %get3A_260 = tpu.vector_load %arg14[%get3A_258, %get3A_259] {strides = array<i32>} : memref<80x128xf32, #tpu.memory_space<vmem>>, vector<1x16xf32>,
        %get3A_261 = vector.shape_cast %get3A_260 : vector<1x16xf32> to vector<16xf32>
        %mul3A_262 = arith.mulf %get3A_257, %get3A_261 : vector<16xf32>
        %swap3A_263 = arith.index_cast %scan3A_155 : i32 to index
        %swap3A_264 = arith.constant 112 : index
        %swap3A_265 = tpu.vector_load %arg12[%swap3A_263, %swap3A_264] {strides = array<i32>} : memref<80x128xf32, #tpu.memory_space<vmem>>, vector<1x16xf32>,
        %swap3A_266 = vector.shape_cast %swap3A_265 : vector<1x16xf32> to vector<16xf32>
        %swap3A_267 = vector.shape_cast %mul3A_262 : vector<16xf32> to vector<1x16xf32>
        tpu.vector_store %arg12[%swap3A_263, %swap3A_264], %swap3A_267 {strides = array<i32>} : memref<80x128xf32, #tpu.memory_space<vmem>>, vector<1x16xf32>,
      }
      %scan3A_42 = arith.constant 80 : i32
      "tpu.region"() ({
        %run_scoped3A = tpu.sem_alloc : memref<!tpu.dma_semaphore, #tpu.memory_space<semaphore_mem>>
        %dma_start3A_43 = arith.constant 0 : i32
        %dma_start3A_44 = arith.constant 0 : i32
        %dma_start3A_45 = tpu.memref_slice %arg16[%dma_start3A_43, %dma_start3A_44] : memref<10240x128xf32, #tpu.memory_space<vmem_shared>> -> memref<10240x128xf32, #tpu.memory_space<vmem_shared>>
        tpu.enqueue_indirect_dma source(%arg12 : memref<80x128xf32, #tpu.memory_space<vmem>>) target(%dma_start3A_45 : memref<10240x128xf32, #tpu.memory_space<vmem_shared>>) offsets(%arg10 : memref<80xi32, #tpu.memory_space<vmem>>) semaphore(%run_scoped3A : memref<!tpu.dma_semaphore, #tpu.memory_space<semaphore_mem>>) {add = true}
        %dma_wait3A_46 = arith.constant 0 : i32
        %dma_wait3A_47 = arith.constant 0 : i32
        %dma_wait3A_48 = tpu.memref_slice %arg16[%dma_wait3A_46, %dma_wait3A_47] : memref<10240x128xf32, #tpu.memory_space<vmem_shared>> -> memref<10240x128xf32, #tpu.memory_space<vmem_shared>>
        tpu.wait_indirect_dma semaphore(%run_scoped3A : memref<!tpu.dma_semaphore, #tpu.memory_space<semaphore_mem>>) src(%arg12 : memref<80x128xf32, #tpu.memory_space<vmem>>) dst(%dma_wait3A_48 : memref<10240x128xf32, #tpu.memory_space<vmem_shared>>)
        tpu.yield
      }) : () -> ()
    }
    %scan3A_19 = arith.constant 125 : i32
    %barrier3A_20 = arith.constant 0 : index
    tpu.barrier barrier_id(%barrier3A_20)
    "tpu.region"() ({
      %run_scoped3A = tpu.sem_alloc : memref<!tpu.dma_semaphore, #tpu.memory_space<semaphore_mem>>
      %dma_start3A = arith.constant 0 : i32
      %dma_start3A_21 = tpu.memref_slice %arg7[%arg0, %mul3A_2, %dma_start3A] : memref<2x10240x128xf32, #tpu.memory_space<hbm>> -> memref<1x640x128xf32, #tpu.memory_space<hbm>>
      %dma_start3A_22 = tpu.memref_squeeze %dma_start3A_21 : memref<1x640x128xf32, #tpu.memory_space<hbm>> -> memref<640x128xf32, #tpu.memory_space<hbm>>
      %dma_start3A_23 = arith.constant 0 : i32
      %dma_start3A_24 = tpu.memref_slice %arg16[%mul3A_2, %dma_start3A_23] : memref<10240x128xf32, #tpu.memory_space<vmem_shared>> -> memref<640x128xf32, #tpu.memory_space<vmem_shared>>
      tpu.enqueue_dma source(%dma_start3A_24 : memref<640x128xf32, #tpu.memory_space<vmem_shared>>) target(%dma_start3A_22 : memref<640x128xf32, #tpu.memory_space<hbm>>) target_semaphore(%run_scoped3A : memref<!tpu.dma_semaphore, #tpu.memory_space<semaphore_mem>>)
      %dma_wait3A = arith.constant 0 : i32
      %dma_wait3A_25 = tpu.memref_slice %arg7[%arg0, %mul3A_2, %dma_wait3A] : memref<2x10240x128xf32, #tpu.memory_space<hbm>> -> memref<1x640x128xf32, #tpu.memory_space<hbm>>
      %dma_wait3A_26 = tpu.memref_squeeze %dma_wait3A_25 : memref<1x640x128xf32, #tpu.memory_space<hbm>> -> memref<640x128xf32, #tpu.memory_space<hbm>>
      %dma_wait3A_27 = arith.constant 0 : i32
      %dma_wait3A_28 = tpu.memref_slice %arg16[%mul3A_2, %dma_wait3A_27] : memref<10240x128xf32, #tpu.memory_space<vmem_shared>> -> memref<640x128xf32, #tpu.memory_space<vmem_shared>>
      tpu.wait_dma2 semaphore(%run_scoped3A : memref<!tpu.dma_semaphore, #tpu.memory_space<semaphore_mem>>) src(%dma_wait3A_28 : memref<640x128xf32, #tpu.memory_space<vmem_shared>>) dst(%dma_wait3A_26 : memref<640x128xf32, #tpu.memory_space<hbm>>)
      tpu.yield
    }) : () -> ()
    return
  }
}

module attributes {stable_mosaic.version = 14 : i64} {
  func.func @_xw_body(%arg0: memref<10000x128xf32, #tpu.memory_space<vmem>>, %arg1: memref<128x128xf32, #tpu.memory_space<vmem>>, %arg2: memref<10000x128xf32, #tpu.memory_space<vmem>>) attributes {dimension_semantics = [], scalar_prefetch = 0 : i64, scratch_operands = 0 : i64, tpu.core_type = #tpu.core_type<tc>} {
    %get3A = arith.constant 0 : index
    %get3A_0 = arith.constant 0 : index
    %get3A_1 = vector.load %arg0[%get3A, %get3A_0] : memref<10000x128xf32, #tpu.memory_space<vmem>>, vector<10000x128xf32>
    %get3A_2 = arith.constant 0 : index
    %get3A_3 = arith.constant 0 : index
    %get3A_4 = vector.load %arg1[%get3A_2, %get3A_3] : memref<128x128xf32, #tpu.memory_space<vmem>>, vector<128x128xf32>
    %dot_general3A = arith.constant dense<0.000000e+00> : vector<10000x128xf32>
    %dot_general3A_5 = tpu.matmul %get3A_1, %get3A_4, %dot_general3A {dimension_numbers = #tpu.dot_dimension_numbers<[1], [0], [0], [1], [0, 0, 1, 1], [], []>, transpose_lhs_hint = false} : vector<10000x128xf32>, vector<128x128xf32>, vector<10000x128xf32> -> vector<10000x128xf32>
    %swap3A = arith.constant 0 : index
    %swap3A_6 = arith.constant 0 : index
    %swap3A_7 = vector.load %arg2[%swap3A, %swap3A_6] : memref<10000x128xf32, #tpu.memory_space<vmem>>, vector<10000x128xf32>
    tpu.vector_store %arg2[%swap3A, %swap3A_6], %dot_general3A_5 {strides = array<i32>} : memref<10000x128xf32, #tpu.memory_space<vmem>>, vector<10000x128xf32>,
    return
  }
}

module attributes {stable_mosaic.version = 14 : i64} {
  func.func @_edge_filter_body(%arg0: i32, %arg1: memref<3200x64xf32, #tpu.memory_space<vmem>>, %arg2: memref<3200x3xf32, #tpu.memory_space<vmem>>, %arg3: memref<64x128xf32, #tpu.memory_space<vmem>>, %arg4: memref<1x128xf32, #tpu.memory_space<vmem>>, %arg5: memref<128x128xf32, #tpu.memory_space<vmem>>, %arg6: memref<1x128xf32, #tpu.memory_space<vmem>>, %arg7: memref<3200x128xf32, #tpu.memory_space<vmem>>) attributes {dimension_semantics = [#tpu.dimension_semantics<arbitrary>], iteration_bounds = array<i64: 100>, scalar_prefetch = 0 : i64, scratch_operands = 0 : i64, tpu.core_type = #tpu.core_type<tc>, window_params = [{transform_indices = @transform_0, window_bounds = array<i64: 3200, 64>}, {transform_indices = @transform_1, window_bounds = array<i64: 3200, 3>}, {pipeline_mode = #tpu.pipeline_mode<synchronous>, transform_indices = @transform_2, window_bounds = array<i64: 64, 128>}, {pipeline_mode = #tpu.pipeline_mode<synchronous>, transform_indices = @transform_3, window_bounds = array<i64: 1, 128>}, {pipeline_mode = #tpu.pipeline_mode<synchronous>, transform_indices = @transform_4, window_bounds = array<i64: 128, 128>}, {pipeline_mode = #tpu.pipeline_mode<synchronous>, transform_indices = @transform_5, window_bounds = array<i64: 1, 128>}, {transform_indices = @transform_6, window_bounds = array<i64: 3200, 128>}]} {
    %get3A = arith.constant 0 : index
    %get3A_0 = arith.constant 0 : index
    %get3A_1 = vector.load %arg2[%get3A, %get3A_0] : memref<3200x3xf32, #tpu.memory_space<vmem>>, vector<3200x3xf32>
    %broadcast_in_dim3A = arith.constant 1.000000e+00 : f32
    %broadcast_in_dim3A_2 = vector.broadcast %broadcast_in_dim3A : f32 to vector<3x1xf32>
    %mul3A = arith.mulf %get3A_1, %get3A_1 : vector<3200x3xf32>
    %dot_general3A = arith.constant dense<0.000000e+00> : vector<3200x1xf32>
    %dot_general3A_3 = tpu.matmul %mul3A, %broadcast_in_dim3A_2, %dot_general3A {dimension_numbers = #tpu.dot_dimension_numbers<[1], [0], [0], [1], [0, 0, 1, 1], [], []>, transpose_lhs_hint = false} : vector<3200x3xf32>, vector<3x1xf32>, vector<3200x1xf32> -> vector<3200x1xf32>
    %mul3A_4 = arith.constant 4.000000e-02 : f32
    %mul3A_5 = vector.broadcast %mul3A_4 : f32 to vector<3200x1xf32>
    %mul3A_6 = arith.mulf %dot_general3A_3, %mul3A_5 : vector<3200x1xf32>
    %max3A = arith.constant 1.000000e-30 : f32
    %max3A_7 = vector.broadcast %max3A : f32 to vector<3200x1xf32>
    %max3A_8 = arith.maximumf %mul3A_6, %max3A_7 : vector<3200x1xf32>
    %rsqrt3A = math.rsqrt %max3A_8 : vector<3200x1xf32>
    %mul3A_9 = arith.mulf %max3A_8, %rsqrt3A : vector<3200x1xf32>
    %sub3A = arith.constant 1.000000e+00 : f32
    %sub3A_10 = vector.broadcast %sub3A : f32 to vector<3200x1xf32>
    %sub3A_11 = arith.subf %sub3A_10, %mul3A_9 : vector<3200x1xf32>
    %lt3A = arith.constant 1.000000e+00 : f32
    %lt3A_12 = vector.broadcast %lt3A : f32 to vector<3200x1xf32>
    %lt3A_13 = arith.cmpf olt, %mul3A_9, %lt3A_12 : vector<3200x1xf32>
    %mul3A_14 = arith.mulf %sub3A_11, %sub3A_11 : vector<3200x1xf32>
    %mul3A_15 = arith.constant 2.000000e+00 : f32
    %mul3A_16 = vector.broadcast %mul3A_15 : f32 to vector<3200x1xf32>
    %mul3A_17 = arith.mulf %mul3A_16, %mul3A_9 : vector<3200x1xf32>
    %add3A = arith.constant 1.000000e+00 : f32
    %add3A_18 = vector.broadcast %add3A : f32 to vector<3200x1xf32>
    %add3A_19 = arith.addf %add3A_18, %mul3A_17 : vector<3200x1xf32>
    %mul3A_20 = arith.mulf %mul3A_14, %add3A_19 : vector<3200x1xf32>
    %jit3A = arith.constant 0.000000e+00 : f32
    %broadcast_in_dim3A_21 = vector.broadcast %jit3A : f32 to vector<3200x1xf32>
    %select_n3A = arith.select %lt3A_13, %mul3A_20, %broadcast_in_dim3A_21 : vector<3200x1xi1>, vector<3200x1xf32>
    %get3A_22 = arith.constant 0 : index
    %get3A_23 = arith.constant 0 : index
    %get3A_24 = vector.load %arg1[%get3A_22, %get3A_23] : memref<3200x64xf32, #tpu.memory_space<vmem>>, vector<3200x64xf32>
    %convert_element_type3A = arith.truncf %get3A_24 : vector<3200x64xf32> to vector<3200x64xbf16>
    %get3A_25 = arith.constant 0 : index
    %get3A_26 = arith.constant 0 : index
    %get3A_27 = vector.load %arg3[%get3A_25, %get3A_26] : memref<64x128xf32, #tpu.memory_space<vmem>>, vector<64x128xf32>
    %convert_element_type3A_28 = arith.truncf %get3A_27 : vector<64x128xf32> to vector<64x128xbf16>
    %dot_general3A_29 = arith.constant dense<0.000000e+00> : vector<3200x128xf32>
    %dot_general3A_30 = tpu.matmul %convert_element_type3A, %convert_element_type3A_28, %dot_general3A_29 {dimension_numbers = #tpu.dot_dimension_numbers<[1], [0], [0], [1], [0, 0, 1, 1], [], []>, transpose_lhs_hint = false} : vector<3200x64xbf16>, vector<64x128xbf16>, vector<3200x128xf32> -> vector<3200x128xf32>
    %get3A_31 = arith.constant 0 : index
    %get3A_32 = arith.constant 0 : index
    %get3A_33 = vector.load %arg4[%get3A_31, %get3A_32] : memref<1x128xf32, #tpu.memory_space<vmem>>, vector<1x128xf32>
    %add3A_34 = vector.broadcast %get3A_33 : vector<1x128xf32> to vector<3200x128xf32>
    %add3A_35 = arith.addf %dot_general3A_30, %add3A_34 : vector<3200x128xf32>
    %abs3A = math.absf %add3A_35 : vector<3200x128xf32>
    %mul3A_36 = arith.constant -1.44269502 : f32
    %mul3A_37 = vector.broadcast %mul3A_36 : f32 to vector<3200x128xf32>
    %mul3A_38 = arith.mulf %abs3A, %mul3A_37 : vector<3200x128xf32>
    %exp23A = math.exp2 %mul3A_38 : vector<3200x128xf32>
    %max3A_39 = arith.constant 0.000000e+00 : f32
    %max3A_40 = vector.broadcast %max3A_39 : f32 to vector<3200x128xf32>
    %max3A_41 = arith.maximumf %add3A_35, %max3A_40 : vector<3200x128xf32>
    %mul3A_42 = arith.constant 5.000000e-01 : f32
    %mul3A_43 = vector.broadcast %mul3A_42 : f32 to vector<3200x128xf32>
    %mul3A_44 = arith.mulf %mul3A_43, %exp23A : vector<3200x128xf32>
    %add3A_45 = arith.constant 5.000000e-01 : f32
    %add3A_46 = vector.broadcast %add3A_45 : f32 to vector<3200x128xf32>
    %add3A_47 = arith.addf %add3A_46, %mul3A_44 : vector<3200x128xf32>
    %log3A = math.log %add3A_47 : vector<3200x128xf32>
    %log3A_48 = arith.constant 2.000000e+00 : f32
    %log3A_49 = math.log %log3A_48 : f32
    %div3A = vector.broadcast %log3A_49 : f32 to vector<3200x128xf32>
    %div3A_50 = arith.divf %log3A, %div3A : vector<3200x128xf32>
    %mul3A_51 = arith.constant 0.693147182 : f32
    %mul3A_52 = vector.broadcast %mul3A_51 : f32 to vector<3200x128xf32>
    %mul3A_53 = arith.mulf %div3A_50, %mul3A_52 : vector<3200x128xf32>
    %add3A_54 = arith.addf %max3A_41, %mul3A_53 : vector<3200x128xf32>
    %convert_element_type3A_55 = arith.truncf %add3A_54 : vector<3200x128xf32> to vector<3200x128xbf16>
    %get3A_56 = arith.constant 0 : index
    %get3A_57 = arith.constant 0 : index
    %get3A_58 = vector.load %arg5[%get3A_56, %get3A_57] : memref<128x128xf32, #tpu.memory_space<vmem>>, vector<128x128xf32>
    %convert_element_type3A_59 = arith.truncf %get3A_58 : vector<128x128xf32> to vector<128x128xbf16>
    %dot_general3A_60 = arith.constant dense<0.000000e+00> : vector<3200x128xf32>
    %dot_general3A_61 = tpu.matmul %convert_element_type3A_55, %convert_element_type3A_59, %dot_general3A_60 {dimension_numbers = #tpu.dot_dimension_numbers<[1], [0], [0], [1], [0, 0, 1, 1], [], []>, transpose_lhs_hint = false} : vector<3200x128xbf16>, vector<128x128xbf16>, vector<3200x128xf32> -> vector<3200x128xf32>
    %get3A_62 = arith.constant 0 : index
    %get3A_63 = arith.constant 0 : index
    %get3A_64 = vector.load %arg6[%get3A_62, %get3A_63] : memref<1x128xf32, #tpu.memory_space<vmem>>, vector<1x128xf32>
    %add3A_65 = vector.broadcast %get3A_64 : vector<1x128xf32> to vector<3200x128xf32>
    %add3A_66 = arith.addf %dot_general3A_61, %add3A_65 : vector<3200x128xf32>
    %mul3A_67 = vector.broadcast %select_n3A : vector<3200x1xf32> to vector<3200x128xf32>
    %mul3A_68 = arith.mulf %add3A_66, %mul3A_67 : vector<3200x128xf32>
    %swap3A = arith.constant 0 : index
    %swap3A_69 = arith.constant 0 : index
    %swap3A_70 = vector.load %arg7[%swap3A, %swap3A_69] : memref<3200x128xf32, #tpu.memory_space<vmem>>, vector<3200x128xf32>
    tpu.vector_store %arg7[%swap3A, %swap3A_69], %mul3A_68 {strides = array<i32>} : memref<3200x128xf32, #tpu.memory_space<vmem>>, vector<3200x128xf32>,
    return
  }
  func.func @transform_0(%arg0: i32) -> (i32, i32) {
    %c0_i32 = arith.constant 0 : i32
    %c0_i32_0 = arith.constant 0 : i32
    return %arg0, %c0_i32 : i32, i32
  }
  func.func @transform_1(%arg0: i32) -> (i32, i32) {
    %c0_i32 = arith.constant 0 : i32
    %c0_i32_0 = arith.constant 0 : i32
    return %arg0, %c0_i32 : i32, i32
  }
  func.func @transform_2(%arg0: i32) -> (i32, i32) {
    %c0_i32 = arith.constant 0 : i32
    %c0_i32_0 = arith.constant 0 : i32
    %c0_i32_1 = arith.constant 0 : i32
    return %c0_i32, %c0_i32_0 : i32, i32
  }
  func.func @transform_3(%arg0: i32) -> (i32, i32) {
    %c0_i32 = arith.constant 0 : i32
    %c0_i32_0 = arith.constant 0 : i32
    %c0_i32_1 = arith.constant 0 : i32
    return %c0_i32, %c0_i32_0 : i32, i32
  }
  func.func @transform_4(%arg0: i32) -> (i32, i32) {
    %c0_i32 = arith.constant 0 : i32
    %c0_i32_0 = arith.constant 0 : i32
    %c0_i32_1 = arith.constant 0 : i32
    return %c0_i32, %c0_i32_0 : i32, i32
  }
  func.func @transform_5(%arg0: i32) -> (i32, i32) {
    %c0_i32 = arith.constant 0 : i32
    %c0_i32_0 = arith.constant 0 : i32
    %c0_i32_1 = arith.constant 0 : i32
    return %c0_i32, %c0_i32_0 : i32, i32
  }
  func.func @transform_6(%arg0: i32) -> (i32, i32) {
    %c0_i32 = arith.constant 0 : i32
    %c0_i32_0 = arith.constant 0 : i32
    return %arg0, %c0_i32 : i32, i32
  }
}

module attributes {stable_mosaic.version = 14 : i64} {
  func.func @_final_body(%arg0: i32, %arg1: memref<2000x128xf32, #tpu.memory_space<vmem>>, %arg2: memref<2x2000x128xf32, #tpu.memory_space<vmem>>, %arg3: memref<128x128xf32, #tpu.memory_space<vmem>>, %arg4: memref<1x128xf32, #tpu.memory_space<vmem>>, %arg5: memref<2000x128xf32, #tpu.memory_space<vmem>>) attributes {dimension_semantics = [#tpu.dimension_semantics<arbitrary>], iteration_bounds = array<i64: 5>, scalar_prefetch = 0 : i64, scratch_operands = 0 : i64, tpu.core_type = #tpu.core_type<tc>, window_params = [{transform_indices = @transform_0, window_bounds = array<i64: 2000, 128>}, {transform_indices = @transform_1, window_bounds = array<i64: 2, 2000, 128>}, {pipeline_mode = #tpu.pipeline_mode<synchronous>, transform_indices = @transform_2, window_bounds = array<i64: 128, 128>}, {pipeline_mode = #tpu.pipeline_mode<synchronous>, transform_indices = @transform_3, window_bounds = array<i64: 1, 128>}, {transform_indices = @transform_4, window_bounds = array<i64: 2000, 128>}]} {
    %get3A = arith.constant 0 : index
    %get3A_0 = arith.constant 0 : index
    %get3A_1 = arith.constant 0 : index
    %get3A_2 = vector.load %arg2[%get3A, %get3A_0, %get3A_1] : memref<2x2000x128xf32, #tpu.memory_space<vmem>>, vector<1x2000x128xf32>
    %get3A_3 = vector.shape_cast %get3A_2 : vector<1x2000x128xf32> to vector<2000x128xf32>
    %get3A_4 = arith.constant 1 : index
    %get3A_5 = arith.constant 0 : index
    %get3A_6 = arith.constant 0 : index
    %get3A_7 = vector.load %arg2[%get3A_4, %get3A_5, %get3A_6] : memref<2x2000x128xf32, #tpu.memory_space<vmem>>, vector<1x2000x128xf32>
    %get3A_8 = vector.shape_cast %get3A_7 : vector<1x2000x128xf32> to vector<2000x128xf32>
    %add3A = arith.addf %get3A_3, %get3A_8 : vector<2000x128xf32>
    %get3A_9 = arith.constant 0 : index
    %get3A_10 = arith.constant 0 : index
    %get3A_11 = vector.load %arg3[%get3A_9, %get3A_10] : memref<128x128xf32, #tpu.memory_space<vmem>>, vector<128x128xf32>
    %dot_general3A = arith.constant dense<0.000000e+00> : vector<2000x128xf32>
    %dot_general3A_12 = tpu.matmul %add3A, %get3A_11, %dot_general3A {dimension_numbers = #tpu.dot_dimension_numbers<[1], [0], [0], [1], [0, 0, 1, 1], [], []>, transpose_lhs_hint = false} : vector<2000x128xf32>, vector<128x128xf32>, vector<2000x128xf32> -> vector<2000x128xf32>
    %get3A_13 = arith.constant 0 : index
    %get3A_14 = arith.constant 0 : index
    %get3A_15 = vector.load %arg4[%get3A_13, %get3A_14] : memref<1x128xf32, #tpu.memory_space<vmem>>, vector<1x128xf32>
    %add3A_16 = vector.broadcast %get3A_15 : vector<1x128xf32> to vector<2000x128xf32>
    %add3A_17 = arith.addf %dot_general3A_12, %add3A_16 : vector<2000x128xf32>
    %get3A_18 = arith.constant 0 : index
    %get3A_19 = arith.constant 0 : index
    %get3A_20 = vector.load %arg1[%get3A_18, %get3A_19] : memref<2000x128xf32, #tpu.memory_space<vmem>>, vector<2000x128xf32>
    %abs3A = math.absf %add3A_17 : vector<2000x128xf32>
    %mul3A = arith.constant -1.44269502 : f32
    %mul3A_21 = vector.broadcast %mul3A : f32 to vector<2000x128xf32>
    %mul3A_22 = arith.mulf %abs3A, %mul3A_21 : vector<2000x128xf32>
    %exp23A = math.exp2 %mul3A_22 : vector<2000x128xf32>
    %max3A = arith.constant 0.000000e+00 : f32
    %max3A_23 = vector.broadcast %max3A : f32 to vector<2000x128xf32>
    %max3A_24 = arith.maximumf %add3A_17, %max3A_23 : vector<2000x128xf32>
    %mul3A_25 = arith.constant 5.000000e-01 : f32
    %mul3A_26 = vector.broadcast %mul3A_25 : f32 to vector<2000x128xf32>
    %mul3A_27 = arith.mulf %mul3A_26, %exp23A : vector<2000x128xf32>
    %add3A_28 = arith.constant 5.000000e-01 : f32
    %add3A_29 = vector.broadcast %add3A_28 : f32 to vector<2000x128xf32>
    %add3A_30 = arith.addf %add3A_29, %mul3A_27 : vector<2000x128xf32>
    %log3A = math.log %add3A_30 : vector<2000x128xf32>
    %log3A_31 = arith.constant 2.000000e+00 : f32
    %log3A_32 = math.log %log3A_31 : f32
    %div3A = vector.broadcast %log3A_32 : f32 to vector<2000x128xf32>
    %div3A_33 = arith.divf %log3A, %div3A : vector<2000x128xf32>
    %mul3A_34 = arith.constant 0.693147182 : f32
    %mul3A_35 = vector.broadcast %mul3A_34 : f32 to vector<2000x128xf32>
    %mul3A_36 = arith.mulf %div3A_33, %mul3A_35 : vector<2000x128xf32>
    %add3A_37 = arith.addf %max3A_24, %mul3A_36 : vector<2000x128xf32>
    %add3A_38 = arith.addf %get3A_20, %add3A_37 : vector<2000x128xf32>
    %swap3A = arith.constant 0 : index
    %swap3A_39 = arith.constant 0 : index
    %swap3A_40 = vector.load %arg5[%swap3A, %swap3A_39] : memref<2000x128xf32, #tpu.memory_space<vmem>>, vector<2000x128xf32>
    tpu.vector_store %arg5[%swap3A, %swap3A_39], %add3A_38 {strides = array<i32>} : memref<2000x128xf32, #tpu.memory_space<vmem>>, vector<2000x128xf32>,
    return
  }
  func.func @transform_0(%arg0: i32) -> (i32, i32) {
    %c0_i32 = arith.constant 0 : i32
    %c0_i32_0 = arith.constant 0 : i32
    return %arg0, %c0_i32 : i32, i32
  }
  func.func @transform_1(%arg0: i32) -> (i32, i32, i32) {
    %c0_i32 = arith.constant 0 : i32
    %c0_i32_0 = arith.constant 0 : i32
    %c0_i32_1 = arith.constant 0 : i32
    return %c0_i32, %arg0, %c0_i32_0 : i32, i32, i32
  }
  func.func @transform_2(%arg0: i32) -> (i32, i32) {
    %c0_i32 = arith.constant 0 : i32
    %c0_i32_0 = arith.constant 0 : i32
    %c0_i32_1 = arith.constant 0 : i32
    return %c0_i32, %c0_i32_0 : i32, i32
  }
  func.func @transform_3(%arg0: i32) -> (i32, i32) {
    %c0_i32 = arith.constant 0 : i32
    %c0_i32_0 = arith.constant 0 : i32
    %c0_i32_1 = arith.constant 0 : i32
    return %c0_i32, %c0_i32_0 : i32, i32
  }
  func.func @transform_4(%arg0: i32) -> (i32, i32) {
    %c0_i32 = arith.constant 0 : i32
    %c0_i32_0 = arith.constant 0 : i32
    return %arg0, %c0_i32 : i32, i32
  }
}

</mosaic_0001>

<sc_bundles>
// kernel: kernel.6.cloned.1.call-start
scs
__scs_entry_jumppad:
0x0: {  	(pc) =	sbr.rel $0x88, $3  }
0x1: {  	(tag) =	ssettag $0x0;
	lr =	simm.s32 $0x1  }
0x2: {  	[smem:$0x3F96] =	sst lr;
	_ =	strace $0xD0000000  }
0x3: {  	_ = 	snop  }
0x4: {  	_ = 	snop  }
0x5: {  	_ = 	snop  }
0x6: {  	_ = 	snop  }
0x7: {  	_ = 	snop  }
__scs_overlays_trampoline_lowered:
0x8: {  	[smem:$0x3FA5] =	sst s0  }
0x9: {  	[smem:$0x3FA6] =	sst s1  }
0xa: {  	[smem:$0x3FA7] =	sst s2  }
0xb: {  	[smem:$0x3FA8] =	sst s3  }
0xc: {  	[smem:$0x3FA9] =	sst s4  }
0xd: {  	[smem:$0x3FAA] =	sst s5  }
0xe: {  	[smem:$0x3FAB] =	sst s6  }
0xf: {  	[smem:$0x3FAC] =	sst s7  }
0x10: {  	[smem:$0x3FAD] =	sst s8  }
0x11: {  	[smem:$0x3FAE] =	sst s9;
	s0 =	simm.s32 @!p0 $0x0  }
0x12: {  	s1 =	sld [smem:$0x3F94];
	s0 =	simm.s32 @p0 $0x1  }
0x13: {  	[smem:$0x3FAF] =	sst s0;
	s0 =	simm.s32 @!p1 $0x0  }
0x14: {  	s2 =	sld [smem:$0x3F93];
	s0 =	simm.s32 @p1 $0x1  }
0x15: {  	[smem:$0x3FB0] =	sst s0;
	s0 =	simm.s32 @!p2 $0x0  }
0x16: {  	s3 =	sld [smem:$0x3FDB];
	s0 =	simm.s32 @p2 $0x1  }
0x17: {  	s4 =	simm.s32 $0x1BF5;
	[smem:$0x3FB2] =	sst s0  }
0x18: {  	s0 =	sld [smem:$0x3F95];
	_ =	swait.ge [sflag:s4], $0x0  }
0x19: {  	s7 =	sld [smem:$0x3F96]  }
0x1a: {  	s8 =	sadd.s32 $0xFFFFE003, lr  }
0x1b: {  	s9 =	sadd.s32 $0xFFFFFEF7, lr;
	s5 =	simm.s32 $0xFFFFFFFF;
	p2 =	slt.u32 s8, $0xFFFFF086  }
0x1c: {  	p1 =	slt.u32 s9, $0xF7A;
	s5 =	simm.s32 @!p2 $0x0  }
0x1d: {  	s5 =	simm.s32 @p1 $0x1;
	p0 =	seq.s32 s7, s2  }
0x1e: {  	s7 =	smul.u32 @!p0 $0xF7A, s2;
	p2 =	seq.s32 @!p0 s5, $0x0  }
0x1f: {  	s9 =	smul.u32 $0xF7A, s1;
	s8 =	simm.s32 @!p0 $0x1BF5;
	p2 =	por !p2, p0  }
0x20: {  	[sflag:s8] =	ssyncset.s32 @!p0 $0xFFFFF086;
	s6 =	sadd.s32 @!p0 s3, s7;
	s7 =	simm.s32 @!p0 $0x108  }
0x21: {  	s3 =	sadd.s32 s3, s9;
	s6 =	sadd.s32 @!p0 $0x88, s6;
	s7 =	simm.s32 @p2 $0x1082  }
0x22: {  	[simem:s7], [sflag:s8] =	dma.local @!p0 [hbm:s6], $0xF7A  }
0x23: {  	s9 =	sor.u32 $0xD0000000, s2;
	s6 =	simm.s32 $0x108;
	_ =	swait.ge @!p0 [sflag:s8], $0x0  }
0x24: {  	s3 =	sadd.s32 $0x88, s3;
	s6 =	simm.s32 @!p1 $0x1082;
	[sflag:s4] =	ssyncset.s32 $0xFFFFF086  }
0x25: {  	[simem:s6], [sflag:s4] =	dma.local [hbm:s3], $0xF7A  }
0x26: {  	[smem:$0x3F96] =	sst s1;
	(tag) =	ssettag s2;
	_ =	strace s9  }
0x27: {  	s1 =	sld [smem:$0x3FA6]  }
0x28: {  	s2 =	sld [smem:$0x3FA7]  }
0x29: {  	s4 =	sld [smem:$0x3FA9]  }
0x2a: {  	p0 =	seq.s32 s5, $0x0;
	s5 =	sld [smem:$0x3FAA]  }
0x2b: {  	s6 =	sld [smem:$0x3FAB]  }
0x2c: {  	s7 =	sld [smem:$0x3FAC]  }
0x2d: {  	s3 =	simm.s32 $0x108;
	s8 =	sld [smem:$0x3FAD]  }
0x2e: {  	s3 =	simm.s32 @!p0 $0x1082;
	s9 =	sld [smem:$0x3FAE]  }
0x2f: {  	lr =	sadd.s32 s0, s3;
	s0 =	sld [smem:$0x3FA5]  }
0x30: {  	s3 =	sld [smem:$0x3FA8]  }
0x31: {  	[smem:$0x3FB1] =	sst s10  }
0x32: {  	s10 =	sld [smem:$0x3FAF];
	_ =	sdelay $0x3  }
0x33: {  	p0 =	seq.s32 s10, $0x1;
	s10 =	sld [smem:$0x3FB1];
	_ =	sdelay $0x3  }
0x34: {  	[smem:$0x3FB1] =	sst s10  }
0x35: {  	s10 =	sld [smem:$0x3FB0];
	_ =	sdelay $0x3  }
0x36: {  	p1 =	seq.s32 s10, $0x1;
	s10 =	sld [smem:$0x3FB1];
	_ =	sdelay $0x3  }
0x37: {  	[smem:$0x3FB1] =	sst s10  }
0x38: {  	s10 =	sld [smem:$0x3FB2]  }
0x39: {  	_ = 	snop;
	(pc) =	sbr.ind lr, $3  }
0x3a: {  	_ = 	snop  }
0x3b: {  	_ = 	snop  }
0x3c: {  	p2 =	seq.s32 s10, $0x1;
	s10 =	sld [smem:$0x3FB1]  }
0x3d: {  	_ =	shalt  }
0x3e: {  	_ =	shalt  }
0x3f: {  	_ =	shalt  }
0x40: {  	_ =	shalt  }
0x41: {  	_ =	shalt  }
0x42: {  	_ =	shalt  }
0x43: {  	_ =	shalt  }
0x44: {  	_ =	shalt  }
0x45: {  	_ =	shalt  }
0x46: {  	_ =	shalt  }
0x47: {  	_ =	shalt  }
0x48: {  	_ =	shalt  }
0x49: {  	_ =	shalt  }
0x4a: {  	_ =	shalt  }
0x4b: {  	_ =	shalt  }
0x4c: {  	_ =	shalt  }
0x4d: {  	_ =	shalt  }
0x4e: {  	_ =	shalt  }
0x4f: {  	_ =	shalt  }
0x50: {  	_ =	shalt  }
0x51: {  	_ =	shalt  }
0x52: {  	_ =	shalt  }
0x53: {  	_ =	shalt  }
0x54: {  	_ =	shalt  }
0x55: {  	_ =	shalt  }
0x56: {  	_ =	shalt  }
0x57: {  	_ =	shalt  }
0x58: {  	_ =	shalt  }
0x59: {  	_ =	shalt  }
0x5a: {  	_ =	shalt  }
0x5b: {  	_ =	shalt  }
0x5c: {  	_ =	shalt  }
0x5d: {  	_ =	shalt  }
0x5e: {  	_ =	shalt  }
0x5f: {  	_ =	shalt  }
0x60: {  	_ =	shalt  }
0x61: {  	_ =	shalt  }
0x62: {  	_ =	shalt  }
0x63: {  	_ =	shalt  }
0x64: {  	_ =	shalt  }
0x65: {  	_ =	shalt  }
0x66: {  	_ =	shalt  }
0x67: {  	_ =	shalt  }
0x68: {  	_ =	shalt  }
0x69: {  	_ =	shalt  }
0x6a: {  	_ =	shalt  }
0x6b: {  	_ =	shalt  }
0x6c: {  	_ =	shalt  }
0x6d: {  	_ =	shalt  }
0x6e: {  	_ =	shalt  }
0x6f: {  	_ =	shalt  }
0x70: {  	_ =	shalt  }
0x71: {  	_ =	shalt  }
0x72: {  	_ =	shalt  }
0x73: {  	_ =	shalt  }
0x74: {  	_ =	shalt  }
0x75: {  	_ =	shalt  }
0x76: {  	_ =	shalt  }
0x77: {  	_ =	shalt  }
0x78: {  	_ =	shalt  }
0x79: {  	_ =	shalt  }
0x7a: {  	_ =	shalt  }
0x7b: {  	_ =	shalt  }
0x7c: {  	_ =	shalt  }
0x7d: {  	_ =	shalt  }
0x7e: {  	_ =	shalt  }
0x7f: {  	_ =	shalt  }
0x80: {  	_ =	shalt  }
0x81: {  	_ =	shalt  }
0x82: {  	_ =	shalt  }
0x83: {  	_ =	shalt  }
0x84: {  	_ =	shalt  }
0x85: {  	_ =	shalt  }
0x86: {  	_ =	shalt  }
0x87: {  	_ =	shalt  }
.Lfunc_end0:
.L_simem_size_0:
called_computation_lowered:
.L_overlay_start_0:
0x88: {  	s2 =	sld [smem:$0x3FD9]  }
0x89: {  	s3 =	sld [smem:$0x3FFE];
	_ =	sdelay $0x1  }
0x8a: {  	s1 =	srdreg.scid  }
0x8b: {  	s0 =	sand.u32 $0x1, s1  }
0x8c: {  	s17 =	sshll.u32 s0, $0xA;
	s2 =	sadd.s32 s3, s2  }
0x8d: {  	s2 =	sadd.s32 s2, s17  }
0x8e: {  	[smem:$0x3FBD] =	sst s2  }
0x8f: {  	_ = 	snop  }
0x90: {  	s2 =	sld [smem:$0x3FD0];
	(tm) =	ssettm $0x1  }
0x91: {  	s18 =	sld [smem:$0x3FFB];
	_ =	sdelay $0x3  }
0x92: {  	_ =	strace s18  }
0x93: {  	s3 =	sld [smem:$0x3FFC];
	_ =	sdelay $0x3  }
0x94: {  	_ =	strace s3  }
0x95: {  	s3 =	sld [smem:$0x3FFD];
	_ =	sdelay $0x3  }
0x96: {  	_ =	strace s3  }
0x97: {  	_ =	strace $0x8FFFFFFF  }
0x98: {  	s19 =	sld [smem:$0x3FDB];
	_ =	sdelay $0x1  }
0x99: {  	s4 =	simm.s32 $_scs_section_size  }
0x9a: {  	s5 =	simm.s32 $_size__tile_overlayer_lowered;
	s6 =	simm.s32 $_tile_overlayer_lowered  }
0x9b: {  	s22 =	simm.s32 $0x1BFF;
	s21 =	sshll.u32 s6, $0x1;
	s3 =	sadd.s32 s4, s19  }
0x9c: {  	s7 =	simm.s32 $0x0;
	s20 =	sshll.u32 s5, $0x1;
	s5 =	sadd.s32 s21, s3  }
0x9d: {  	[timem:s7], [sflag:s22] =	dma.local [hbm:s5], s20  }
0x9e: {  	_ =	swait.ge [sflag:s22], s20  }
0x9f: {  	s4 =	ssub.s32 $0x0, s20;
	[sflag:s22] =	ssyncset.done $0x0  }
0xa0: {  	[sflag:s22] =	ssyncadd.s32 s4;
	_ =	sdelay $0x1  }
0xa1: {  	s23 =	simm.s32 $0x1B8B  }
0xa2: {  	_ =	swait.ge [sflag:s23], $0x1  }
0xa3: {  	[sflag:s23] =	ssyncset.done $0x0  }
0xa4: {  	s25 =	simm.s32 $0x1B8E;
	s24 =	sld [smem:$0x3FFE];
	[sflag:s23] =	ssyncadd.s32 $0xFFFFFFFF  }
0xa5: {  	s26 =	simm.s32 $execute0_lowered;
	[smem:$0x3FD2] =	sst s25  }
0xa6: {  	s5 =	sshll.u32 s26, $0x1;
	_ =	strace $0x80000046;
	[dreg:$0x1] =	wrdreg $0xFFFFFFFF  }
0xa7: {  	s28 =	simm.s32 $_size_execute0_lowered;
	s3 =	sadd.s32 s3, s5;
	[dreg:$0x0] =	wrdreg $0x0  }
0xa8: {  	s5 =	sshll.u32 s28, $0x1;
	[dreg:$0x2] =	wrdreg s3  }
0xa9: {  	[dreg:$0x3] =	wrdreg s5  }
0xaa: {  	[dreg:$0x4] =	wrdreg $0xC0  }
0xab: {  	_ =	task [dreg:s7], $0x5FFFF  }
0xac: {  	[dreg:$0x1] =	wrdreg $0xFFFFFFFF  }
0xad: {  	[dreg:$0x0] =	wrdreg $0x60  }
0xae: {  	[dreg:$0x2] =	wrdreg s24  }
0xaf: {  	[dreg:$0x3] =	wrdreg s2  }
0xb0: {  	[dreg:$0x4] =	wrdreg $0x51000  }
0xb1: {  	[dreg:$0x5] =	wrdreg $0x9  }
0xb2: {  	_ =	task.clear_ibuf [dreg:s7], $0x6FFFF;
	_ =	strace $0x90000046  }
0xb3: {  	s29 =	simm.s32 $0x9;
	_ =	strace $0x80000048  }
0xb4: {  	_ =	swait.ge [sflag:s29], $0x1  }
0xb5: {  	[sflag:s29] =	ssyncadd.s32 $0xFFFFFFFF  }
0xb6: {  	_ =	strace $0x90000048  }
0xb7: {  	_ =	sfence  }
0xb8: {  	s30 =	sld [smem:$0x0];
	_ =	sdelay $0x2  }
0xb9: {  	s31 =	sshll.u32 s1, $0xD;
	s1 =	sshrl.u32 s1, $0x2  }
0xba: {  	s3 =	sand.u32 $0x4000, s31;
	s1 =	sadd.s32 s1, s30  }
0xbb: {  	s0 =	sor.u32 s3, s0;
	s1 =	sshll.u32 s1, $0x11  }
0xbc: {  	s0 =	sor.u32 s1, s0  }
0xbd: {  	s0 =	sadd.s32 $0x8F2B, s0  }
0xbe: {  	[sflag:s0] =	ssyncadd.remote.s32 $0x1  }
0xbf: {  	_ =	sfence.sel $0xFFFF  }
0xc0: {  	[dreg:$0x0] =	wrdreg $0xFFFFFFFF;
	(pc) =	sbr.abs _section_cstart, $3  }
0xc1: {  	[dreg:$0x1] =	wrdreg $0xFFFFFFFF  }
0xc2: {  	_ =	task.clear_ibuf [dreg:s7], $0x2FFFF;
	_ =	strace $0x9FFFFFFF  }
0xc3: {  	(tm) =	ssettm $0x7FFFFFFF  }
tec
execute0_lowered:
.L_overlay_start_1:
0x0: {  	(tag) =	ssettag $0x1  }
0x1: {  	s9 =	rddreg [dreg:$0x0]  }
0x2: {  	s1 =	rddreg [dreg:$0x1]  }
0x3: {  	s2 =	rddreg [dreg:$0x2];
	s3 =	srdreg.scid  }
0x4: {  	s0 =	rddreg [dreg:$0x3];
	s4 =	simm.s32 $0x0;
	s14 =	simm.s32 $0x3  }
0x5: {  	s19 =	simm.s32 $0x80;
	s20 =	simm.s32 $0x100;
	s21 =	simm.s32 $0x50  }
0x6: {  	s22 =	simm.s32 $0x2900;
	s23 =	simm.s32 $0x1;
	s24 =	simm.s32 $0x2  }
0x7: {  	s25 =	simm.s32 $0x0;
	s10 =	sand.u32 $0x1, s3;
	s5 =	sadd.s32 $0x9D9200, s9  }
0x8: {  	s3 =	stileid.u32;
	s6 =	sadd.s32 $0x9CF400, s9;
	s8 =	smul.u32 $0x140000, s10  }
0x9: {  	[smem:$0x7FF] =	sst s4;
	s7 =	sadd.s32 $0x9C5600, s9;
	s11 =	smul.u32 $0x14000, s3  }
0xa: {  	_ =	strace $0x80000047;
	s12 =	ssub.s32 $0x2, s10;
	s13 =	smul.u32 $0x50000, s3  }
0xb: {  	s29 =	sshll.u32 s10, $0x4;
	s31 =	sshll.u32 s3, $0x6;
	s28 =	sshrl.u32 s12, $0x1  }
0xc: {  	s10 =	sor.u32 $0x1C03, s31;
	s8 =	sadd.s32 s11, s8;
	s12 =	ssub.s32 s12, s28  }
0xd: {  	s30 =	sshrl.u32 s13, $0x2;
	s11 =	sshrl.u32 s8, $0x3;
	s8 =	sadd.s32 $0x1600, s9  }
0xe: {  	s13 =	sadd.s32 s30, s2;
	s12 =	smax.u32 s12, $0x1;
	s11 =	sadd.s32 s11, s9  }
0xf: {  	s9 =	sor.u32 s3, s29;
	s15 =	sadd.s32 $0x4000, s13;
	s16 =	sadd.s32 $0x8000, s13  }
0x10: {  	s17 =	sadd.s32 $0xC000, s13;
	s18 =	sadd.s32 $0x10000, s13;
	s13 =	sshrl.u32 s13, $0x3  }
0x11: {  	s9 =	smul.u32 $0x2710, s9;
	s11 =	sadd.s32 $0x1E00, s11;
	s15 =	sshrl.u32 s15, $0x3  }
0x12: {  	s16 =	sshrl.u32 s16, $0x3;
	s17 =	sshrl.u32 s17, $0x3;
	s18 =	sshrl.u32 s18, $0x3  }
.LBB2_1:
0x13: {  	[spmem:s13], [sflag:s10] =	dma.local [hbm:s8], $0x800  }
0x14: {  	_ =	swait.ge [sflag:s14], $0x800  }
0x15: {  	[sflag:s14] =	ssyncset.done $0x0  }
0x16: {  	[sflag:s14] =	ssyncadd.s32 $0xFFFFF800  }
0x17: {  	[spmem:s15], [sflag:s10] =	dma.local [hbm:s8], $0x800  }
0x18: {  	_ =	swait.ge [sflag:s14], $0x800  }
0x19: {  	[sflag:s14] =	ssyncset.done $0x0  }
0x1a: {  	[sflag:s14] =	ssyncadd.s32 $0xFFFFF800  }
0x1b: {  	[spmem:s16], [sflag:s10] =	dma.local [hbm:s8], $0x800  }
0x1c: {  	_ =	swait.ge [sflag:s14], $0x800  }
0x1d: {  	[sflag:s14] =	ssyncset.done $0x0  }
0x1e: {  	[sflag:s14] =	ssyncadd.s32 $0xFFFFF800  }
0x1f: {  	[spmem:s17], [sflag:s10] =	dma.local [hbm:s8], $0x800  }
0x20: {  	_ =	swait.ge [sflag:s14], $0x800  }
0x21: {  	[sflag:s14] =	ssyncset.done $0x0  }
0x22: {  	[sflag:s14] =	ssyncadd.s32 $0xFFFFF800  }
0x23: {  	[spmem:s18], [sflag:s10] =	dma.local [hbm:s8], $0x800  }
0x24: {  	_ =	swait.ge [sflag:s14], $0x800  }
0x25: {  	[sflag:s14] =	ssyncset.done $0x0  }
0x26: {  	[sflag:s14] =	ssyncadd.s32 $0xFFFFF800  }
0x27: {  	s26 =	simm.s32 $0x0;
	[bflag:$0x0] =	sbarrier.arrive $0xFFFF  }
.LBB2_2:
0x28: {  	s28 =	smul.u32 $0x50, s26;
	_ =	sdelay $0x1  }
0x29: {  	s28 =	sadd.s32 s9, s28  }
0x2a: {  	s29 =	sshrl.u32 s28, $0x3  }
0x2b: {  	s30 =	sadd.s32 s6, s29  }
0x2c: {  	[tilespmem:s4], [sflag:$0x3] =	stream.linear.gather [hbm4b:s30+s4], $0x50, $0x38;
	[tilespmem:$0x19100] =	vst v63  }
0x2d: {  	_ =	swait.ge [sflag:s14], $0x50  }
0x2e: {  	[sflag:s14] =	ssyncset.done $0x0  }
0x2f: {  	s29 =	sadd.s32 s7, s29;
	[sflag:s14] =	ssyncadd.s32 $0xFFFFFFB0  }
0x30: {  	[tilespmem:s19], [sflag:$0x3] =	stream.linear.gather [hbm4b:s29+s4], $0x50, $0x38;
	[tilespmem:$0x19100] =	vst v63  }
0x31: {  	_ =	swait.ge [sflag:s14], $0x50  }
0x32: {  	s28 =	sshll.u32 s28, $0x4;
	[sflag:s14] =	ssyncset.done $0x0  }
0x33: {  	s28 =	sadd.s32 s5, s28;
	[sflag:s14] =	ssyncadd.s32 $0xFFFFFFB0  }
0x34: {  	[tilespmem:s20], [sflag:$0x1] =	stream.linear.gather [hbm4b:s28+s4], $0x2800, $0x38;
	[tilespmem:$0x19100] =	vst v63  }
0x35: {  	_ = 	snop  }
0x36: {  	[tilespmem:s22], [sflag:$0x2] =	stream.indirect.gather [hbm4b:s1+s21], $0x80, s4, s21, $0xb8;
	[tilespmem:$0x19100] =	vst v63  }
0x37: {  	_ =	swait.ge [sflag:s23], $0x2800  }
0x38: {  	[sflag:s23] =	ssyncset.done $0x0  }
0x39: {  	[sflag:s23] =	ssyncadd.s32 $0xFFFFD800  }
0x3a: {  	_ =	swait.ge [sflag:s24], $0x2800  }
0x3b: {  	[sflag:s24] =	ssyncset.done $0x0  }
0x3c: {  	s28 =	simm.s32 $0x180;
	[sflag:s24] =	ssyncadd.s32 $0xFFFFD800  }
0x3d: {  	s29 =	simm.s32 $0x2980;
	v0 =	vld [tilespmem:s28+$0xFFFFFF80]  }
0x3e: {  	v1 =	vld [tilespmem:s29+$0xFFFFFF80];
	_ =	sdelay $0x4  }
0x3f: {  	v0 =	vmul.f32 v1, v0;
	_ =	sdelay $0x1  }
0x40: {  	[tilespmem:s28+$0xFFFFFF80] =	vst v0;
	v0 =	vld [tilespmem:s28+$0xFFFFFF90]  }
0x41: {  	v1 =	vld [tilespmem:s29+$0xFFFFFF90];
	_ =	sdelay $0x4  }
0x42: {  	v0 =	vmul.f32 v1, v0;
	_ =	sdelay $0x1  }
0x43: {  	[tilespmem:s28+$0xFFFFFF90] =	vst v0;
	v0 =	vld [tilespmem:s28+$0xFFFFFFA0]  }
0x44: {  	v1 =	vld [tilespmem:s29+$0xFFFFFFA0];
	_ =	sdelay $0x4  }
0x45: {  	v0 =	vmul.f32 v1, v0;
	_ =	sdelay $0x1  }
0x46: {  	[tilespmem:s28+$0xFFFFFFA0] =	vst v0;
	v0 =	vld [tilespmem:s28+$0xFFFFFFB0]  }
0x47: {  	v1 =	vld [tilespmem:s29+$0xFFFFFFB0];
	_ =	sdelay $0x4  }
0x48: {  	v0 =	vmul.f32 v1, v0;
	_ =	sdelay $0x1  }
0x49: {  	[tilespmem:s28+$0xFFFFFFB0] =	vst v0;
	v0 =	vld [tilespmem:s28+$0xFFFFFFC0]  }
0x4a: {  	v1 =	vld [tilespmem:s29+$0xFFFFFFC0];
	_ =	sdelay $0x4  }
0x4b: {  	v0 =	vmul.f32 v1, v0;
	_ =	sdelay $0x1  }
0x4c: {  	[tilespmem:s28+$0xFFFFFFC0] =	vst v0;
	v0 =	vld [tilespmem:s28+$0xFFFFFFD0]  }
0x4d: {  	v1 =	vld [tilespmem:s29+$0xFFFFFFD0];
	_ =	sdelay $0x4  }
0x4e: {  	v0 =	vmul.f32 v1, v0;
	_ =	sdelay $0x1  }
0x4f: {  	[tilespmem:s28+$0xFFFFFFD0] =	vst v0;
	v0 =	vld [tilespmem:s28+$0xFFFFFFE0]  }
0x50: {  	v1 =	vld [tilespmem:s29+$0xFFFFFFE0];
	_ =	sdelay $0x4  }
0x51: {  	v0 =	vmul.f32 v1, v0;
	_ =	sdelay $0x1  }
0x52: {  	[tilespmem:s28+$0xFFFFFFE0] =	vst v0;
	v0 =	vld [tilespmem:s28+$0xFFFFFFF0]  }
0x53: {  	v1 =	vld [tilespmem:s29+$0xFFFFFFF0];
	_ =	sdelay $0x4  }
0x54: {  	v0 =	vmul.f32 v1, v0;
	_ =	sdelay $0x1  }
0x55: {  	[tilespmem:s28+$0xFFFFFFF0] =	vst v0;
	v0 =	vld [tilespmem:s28+$0x0]  }
0x56: {  	v1 =	vld [tilespmem:s29+$0x0];
	_ =	sdelay $0x4  }
0x57: {  	v0 =	vmul.f32 v1, v0;
	_ =	sdelay $0x1  }
0x58: {  	[tilespmem:s28+$0x0] =	vst v0;
	v0 =	vld [tilespmem:s28+$0x10]  }
0x59: {  	v1 =	vld [tilespmem:s29+$0x10];
	_ =	sdelay $0x4  }
0x5a: {  	v0 =	vmul.f32 v1, v0;
	_ =	sdelay $0x1  }
0x5b: {  	[tilespmem:s28+$0x10] =	vst v0;
	v0 =	vld [tilespmem:s28+$0x20]  }
0x5c: {  	v1 =	vld [tilespmem:s29+$0x20];
	_ =	sdelay $0x4  }
0x5d: {  	v0 =	vmul.f32 v1, v0;
	_ =	sdelay $0x1  }
0x5e: {  	[tilespmem:s28+$0x20] =	vst v0;
	v0 =	vld [tilespmem:s28+$0x30]  }
0x5f: {  	v1 =	vld [tilespmem:s29+$0x30];
	_ =	sdelay $0x4  }
0x60: {  	v0 =	vmul.f32 v1, v0;
	_ =	sdelay $0x1  }
0x61: {  	[tilespmem:s28+$0x30] =	vst v0;
	v0 =	vld [tilespmem:s28+$0x40]  }
0x62: {  	v1 =	vld [tilespmem:s29+$0x40];
	_ =	sdelay $0x4  }
0x63: {  	v0 =	vmul.f32 v1, v0;
	_ =	sdelay $0x1  }
0x64: {  	[tilespmem:s28+$0x40] =	vst v0;
	v0 =	vld [tilespmem:s28+$0x50]  }
0x65: {  	v1 =	vld [tilespmem:s29+$0x50];
	_ =	sdelay $0x4  }
0x66: {  	v0 =	vmul.f32 v1, v0;
	_ =	sdelay $0x1  }
0x67: {  	[tilespmem:s28+$0x50] =	vst v0;
	v0 =	vld [tilespmem:s28+$0x60]  }
0x68: {  	v1 =	vld [tilespmem:s29+$0x60];
	_ =	sdelay $0x4  }
0x69: {  	v0 =	vmul.f32 v1, v0;
	_ =	sdelay $0x1  }
0x6a: {  	[tilespmem:s28+$0x60] =	vst v0;
	v0 =	vld [tilespmem:s28+$0x70]  }
0x6b: {  	v1 =	vld [tilespmem:s29+$0x70];
	_ =	sdelay $0x4  }
0x6c: {  	v0 =	vmul.f32 v1, v0  }
0x6d: {  	s31 =	simm.s32 $0x280;
	s30 =	simm.s32 $0x0  }
.LBB2_3:
0x6e: {  	v1 =	vld [tilespmem:s31+$0xFFFFFF80];
	[tilespmem:s28+$0x70] =	vst v0;
	s29 =	sadd.s32 $0x100, s29;
	s28 =	smov.u32 s31  }
0x6f: {  	s30 =	sadd.s32 $0x2, s30;
	v0 =	vld [tilespmem:s29+$0xFFFFFF80]  }
0x70: {  	p0 =	slt.u32 s30, $0x4E;
	_ =	sdelay $0x3  }
0x71: {  	v0 =	vmul.f32 v0, v1;
	_ =	sdelay $0x1  }
0x72: {  	[tilespmem:s31+$0xFFFFFF80] =	vst v0;
	v0 =	vld [tilespmem:s31+$0xFFFFFF90]  }
0x73: {  	v1 =	vld [tilespmem:s29+$0xFFFFFF90];
	_ =	sdelay $0x4  }
0x74: {  	v0 =	vmul.f32 v1, v0;
	_ =	sdelay $0x1  }
0x75: {  	[tilespmem:s31+$0xFFFFFF90] =	vst v0;
	v0 =	vld [tilespmem:s31+$0xFFFFFFA0]  }
0x76: {  	v1 =	vld [tilespmem:s29+$0xFFFFFFA0];
	_ =	sdelay $0x4  }
0x77: {  	v0 =	vmul.f32 v1, v0;
	_ =	sdelay $0x1  }
0x78: {  	[tilespmem:s31+$0xFFFFFFA0] =	vst v0;
	v0 =	vld [tilespmem:s31+$0xFFFFFFB0]  }
0x79: {  	v1 =	vld [tilespmem:s29+$0xFFFFFFB0];
	_ =	sdelay $0x4  }
0x7a: {  	v0 =	vmul.f32 v1, v0;
	_ =	sdelay $0x1  }
0x7b: {  	[tilespmem:s31+$0xFFFFFFB0] =	vst v0;
	v0 =	vld [tilespmem:s31+$0xFFFFFFC0]  }
0x7c: {  	v1 =	vld [tilespmem:s29+$0xFFFFFFC0];
	_ =	sdelay $0x4  }
0x7d: {  	v0 =	vmul.f32 v1, v0;
	_ =	sdelay $0x1  }
0x7e: {  	[tilespmem:s31+$0xFFFFFFC0] =	vst v0;
	v0 =	vld [tilespmem:s31+$0xFFFFFFD0]  }
0x7f: {  	v1 =	vld [tilespmem:s29+$0xFFFFFFD0];
	_ =	sdelay $0x4  }
0x80: {  	v0 =	vmul.f32 v1, v0;
	_ =	sdelay $0x1  }
0x81: {  	[tilespmem:s31+$0xFFFFFFD0] =	vst v0;
	v0 =	vld [tilespmem:s31+$0xFFFFFFE0]  }
0x82: {  	v1 =	vld [tilespmem:s29+$0xFFFFFFE0];
	_ =	sdelay $0x4  }
0x83: {  	v0 =	vmul.f32 v1, v0;
	_ =	sdelay $0x1  }
0x84: {  	[tilespmem:s31+$0xFFFFFFE0] =	vst v0;
	v0 =	vld [tilespmem:s31+$0xFFFFFFF0]  }
0x85: {  	v1 =	vld [tilespmem:s29+$0xFFFFFFF0];
	_ =	sdelay $0x4  }
0x86: {  	v0 =	vmul.f32 v1, v0;
	_ =	sdelay $0x1  }
0x87: {  	[tilespmem:s31+$0xFFFFFFF0] =	vst v0;
	v0 =	vld [tilespmem:s31+$0x0]  }
0x88: {  	v1 =	vld [tilespmem:s29+$0x0];
	_ =	sdelay $0x4  }
0x89: {  	v0 =	vmul.f32 v1, v0;
	_ =	sdelay $0x1  }
0x8a: {  	[tilespmem:s31+$0x0] =	vst v0;
	v0 =	vld [tilespmem:s31+$0x10]  }
0x8b: {  	v1 =	vld [tilespmem:s29+$0x10];
	_ =	sdelay $0x4  }
0x8c: {  	v0 =	vmul.f32 v1, v0;
	_ =	sdelay $0x1  }
0x8d: {  	[tilespmem:s31+$0x10] =	vst v0;
	v0 =	vld [tilespmem:s31+$0x20]  }
0x8e: {  	v1 =	vld [tilespmem:s29+$0x20];
	_ =	sdelay $0x4  }
0x8f: {  	v0 =	vmul.f32 v1, v0;
	_ =	sdelay $0x1  }
0x90: {  	[tilespmem:s31+$0x20] =	vst v0;
	v0 =	vld [tilespmem:s31+$0x30]  }
0x91: {  	v1 =	vld [tilespmem:s29+$0x30];
	_ =	sdelay $0x4  }
0x92: {  	v0 =	vmul.f32 v1, v0;
	_ =	sdelay $0x1  }
0x93: {  	[tilespmem:s31+$0x30] =	vst v0;
	v0 =	vld [tilespmem:s31+$0x40]  }
0x94: {  	v1 =	vld [tilespmem:s29+$0x40];
	_ =	sdelay $0x4  }
0x95: {  	v0 =	vmul.f32 v1, v0;
	_ =	sdelay $0x1  }
0x96: {  	[tilespmem:s31+$0x40] =	vst v0;
	v0 =	vld [tilespmem:s31+$0x50]  }
0x97: {  	v1 =	vld [tilespmem:s29+$0x50];
	_ =	sdelay $0x4  }
0x98: {  	v0 =	vmul.f32 v1, v0;
	_ =	sdelay $0x1  }
0x99: {  	[tilespmem:s31+$0x50] =	vst v0;
	v0 =	vld [tilespmem:s31+$0x60]  }
0x9a: {  	v1 =	vld [tilespmem:s29+$0x60];
	_ =	sdelay $0x4  }
0x9b: {  	v0 =	vmul.f32 v1, v0;
	_ =	sdelay $0x1  }
0x9c: {  	[tilespmem:s31+$0x60] =	vst v0;
	v0 =	vld [tilespmem:s31+$0x70]  }
0x9d: {  	v1 =	vld [tilespmem:s29+$0x70];
	_ =	sdelay $0x1  }
.Ltmp0:
0x9e: {  	(pc) =	sbr.rel @p0 .LBB2_3-.Ltmp0, $3  }
0x9f: {  	_ =	sdelay $0x1  }
0xa0: {  	v0 =	vmul.f32 v1, v0  }
0xa1: {  	s31 =	sadd.s32 $0x100, s31  }
0xa2: {  	s26 =	sadd.s32 $0x1, s26  }
0xa3: {  	p0 =	sne.s32 s26, $0x7D  }
.Ltmp1:
0xa4: {  	[tilespmem:s28+$0x70] =	vst v0;
	(pc) =	sbr.rel @p0 .LBB2_2-.Ltmp1, $4  }
0xa5: {  	[spmem:s2] =	stream.indirect.scatter.add.f32 [tilespmem:s20], [sflag:$0x3], $0x80, s19, s21, $0xb8;
	[tilespmem:$0x19100] =	vst v63  }
0xa6: {  	_ =	swait.ge [sflag:s14], $0x2800  }
0xa7: {  	[sflag:s14] =	ssyncset.done $0x0  }
0xa8: {  	[sflag:s14] =	ssyncadd.s32 $0xFFFFD800  }
0xa9: {  	s25 =	sadd.s32 $0x1, s25  }
0xaa: {  	p0 =	sne.s32 s25, s12  }
.Ltmp2:
0xab: {  	[bflag:$0x0] =	sbarrier.arrive $0xFFFF;
	(pc) =	sbr.rel @p0 .LBB2_1-.Ltmp2, $4  }
0xac: {  	[hbm:s11], [sflag:s10] =	dma.local [spmem:s13], $0x2800  }
0xad: {  	_ =	swait.ge [sflag:s14], $0x2800  }
0xae: {  	[sflag:s14] =	ssyncset.done $0x0  }
0xaf: {  	[sflag:s14] =	ssyncadd.s32 $0xFFFFD800  }
0xb0: {  	_ =	sfence.sel $0x180000  }
0xb1: {  	[bflag:$0x0] =	sbarrier.arrive $0xFFFF  }
0xb2: {  	p0 =	sne.s32 s3, $0x0;
	_ =	strace $0x90000047  }
0xb3: {  	s0 =	sadd.s32 @!p0 $0x100000, s0;
	[bflag:$0x2] =	sbarrier.arrive $0xFFFF  }
0xb4: {  	[sflag:s0] =	ssyncadd.tile.s32 @!p0 $0x1;
	_ =	shalt  }
.Lfunc_end2:
_tile_overlayer_lowered:
.L_overlay_start_2:
0xb5: {  	(tag) =	ssettag $0x2  }
0xb6: {  	s0 =	rddreg [dreg:$0x0];
	s2 =	stileid.u32  }
0xb7: {  	s1 =	rddreg [dreg:$0x1];
	p0 =	sne.s32 s2, $0x0  }
0xb8: {  	s3 =	rddreg [dreg:$0x2];
	[bflag:$0x3] =	sbarrier.arrive $0xFFFF;
	s2 =	simm.s32 @!p0 $0x1C03  }
0xb9: {  	[timem:s3], [sflag:s2] =	dma.local @!p0 [hbm:s0], s1  }
0xba: {  	s0 =	simm.s32 @!p0 $0x3  }
0xbb: {  	_ =	swait.ge @!p0 [sflag:s0], s1  }
0xbc: {  	s1 =	ssub.s32 @!p0 $0x0, s1;
	[sflag:s0] =	ssyncset.done @!p0 $0x0  }
0xbd: {  	[sflag:s0] =	ssyncadd.s32 @!p0 s1  }
0xbe: {  	[bflag:$0x3] =	sbarrier.arrive $0xFFFF  }
0xbf: {  	_ =	shalt  }

</sc_bundles>
